<compile_context>
chip_gen: v7x
topology: tpu7x:2x2x1
jax: 0.10.2.dev20260603
libtpu: 0.0.44.dev20260713+nightly
codegen_flags: <defaults>
</compile_context>

<pallas_src>
import functools

import jax
import jax.numpy as jnp
from jax import lax
from jax.experimental import pallas as pl
from jax.experimental.pallas import tpu as pltpu
from jax.experimental.pallas import tpu_sc as plsc

_NBUF = 4


def _sc_gather_cols(idx_pad, tableT, n_pad, E):
    info = plsc.get_sparse_core_info()
    NC, NS = info.num_cores, info.num_subcores
    NW = NC * NS
    b_per_w = n_pad // NW

    mesh = plsc.VectorSubcoreMesh(core_axis_name="c", subcore_axis_name="s")

    @functools.partial(
        pl.kernel,
        mesh=mesh,
        out_type=jax.ShapeDtypeStruct((n_pad, E), jnp.float32),
        scratch_types=[
            pltpu.VMEM(((b_per_w + 15) // 16 * 16,), jnp.int32),
            pltpu.VMEM((_NBUF, E, 128), jnp.float32),
            pltpu.VMEM((b_per_w, E), jnp.float32),
            [pltpu.SemaphoreType.DMA] * _NBUF,
        ],
        compiler_params=pltpu.CompilerParams(needs_layout_passes=False),
    )
    def gather_kernel(idx_hbm, table_hbm, out_hbm, idx_v, panels, xout, sems):
        wid = lax.axis_index("s") * NC + lax.axis_index("c")
        base = wid * b_per_w
        pltpu.sync_copy(idx_hbm.at[pl.ds(base, b_per_w)], idx_v.at[pl.ds(0, b_per_w)])

        krows = lax.iota(jnp.int32, E)
        lane16 = lax.iota(jnp.int32, 16)

        _tok_cache = {}

        def tok(i):
            if i not in _tok_cache:
                chunk = idx_v[pl.ds((i // 16) * 16, 16)]
                _tok_cache[i] = jnp.sum(jnp.where(lane16 == (i % 16), chunk, 0))
            return _tok_cache[i]

        def start(i):
            col0 = (tok(i) >> 7) * 128
            return pltpu.async_copy(
                table_hbm.at[:, pl.ds(col0, 128)],
                panels.at[i % _NBUF],
                sems[i % _NBUF],
            )

        handles = {}
        for i in range(min(_NBUF - 1, b_per_w)):
            handles[i] = start(i)
        for i in range(b_per_w):
            handles.pop(i).wait()
            lane = jnp.broadcast_to(tok(i) & 127, (E,)).astype(jnp.int32)
            col = plsc.load_gather(panels.at[i % _NBUF], [krows, lane])
            xout[i, :] = col
            if i + _NBUF - 1 < b_per_w:
                handles[i + _NBUF - 1] = start(i + _NBUF - 1)

        pltpu.sync_copy(xout, out_hbm.at[pl.ds(base, b_per_w)])

    return gather_kernel(idx_pad, tableT)


def _tc_project(x_pad, posb, W, b2d, n, V, E):
    RB = 64
    grid = n // RB

    def body(x_ref, pos_ref, w_ref, b_ref, o_ref):
        xp = x_ref[...] + pos_ref[...]
        o_ref[...] = (
            jnp.dot(xp, w_ref[...], preferred_element_type=jnp.float32)
            + b_ref[...]
        )

    return pl.pallas_call(
        body,
        grid=(grid,),
        in_specs=[
            pl.BlockSpec((RB, E), lambda i: (i, 0)),
            pl.BlockSpec((RB, E), lambda i: (i, 0)),
            pl.BlockSpec((E, V), lambda i: (0, 0)),
            pl.BlockSpec((1, V), lambda i: (0, 0)),
        ],
        out_specs=pl.BlockSpec((RB, V), lambda i: (i, 0)),
        out_shape=jax.ShapeDtypeStruct((n, V), jnp.float32),
        compiler_params=pltpu.CompilerParams(
            vmem_limit_bytes=120 * 1024 * 1024,
        ),
    )(x_pad, posb, W, b2d)


def kernel(idx, tok_table, pos_table, W, b):
    B, T = idx.shape
    V, E = tok_table.shape
    n = B * T

    idx_flat = idx.T.reshape(n).astype(jnp.int32)

    NW = 32
    chunk = ((n + NW - 1) // NW + 7) // 8 * 8
    n_pad = chunk * NW
    idx_pad = jnp.zeros((n_pad,), jnp.int32).at[:n].set(idx_flat)

    tableT = tok_table.T
    x_pad = _sc_gather_cols(idx_pad, tableT, n_pad, E)

    posb = jnp.repeat(pos_table, B, axis=0)
    out = _tc_project(x_pad, posb, W, b.reshape(1, V), n, V, E)
    return out.reshape(T, B, V).transpose(1, 0, 2)

# --- scband reference (transcript-rebuilt; emitter-appended) ---
"""Pipeline reference for scband-bigram-language-model-30528627540661 (READ-ONLY COPY).

The authoritative reference and input builder live on the scoring server;
editing this copy changes nothing except your own understanding.
"""

import jax, jax.numpy as jnp
import numpy as np

VOCAB = 100000
BLOCK = 20
EMB = 16
BATCH = 32

def setup_inputs(seed: int = 0) -> dict:
    key = jax.random.key(seed)
    k1, k2, k3, k4, k5 = jax.random.split(key, 5)
    idx = jax.random.randint(k1, (BATCH, BLOCK), 0, VOCAB, dtype=jnp.int64 if jax.config.jax_enable_x64 else jnp.int32)
    tok_table = jax.random.normal(k2, (VOCAB, EMB), dtype=jnp.float32)
    pos_table = jax.random.normal(k3, (BLOCK, EMB), dtype=jnp.float32)
    W = jax.random.normal(k4, (EMB, VOCAB), dtype=jnp.float32) * (1.0 / np.sqrt(EMB))
    b = jax.random.normal(k5, (VOCAB,), dtype=jnp.float32) * 0.01
    return {"idx": idx, "tok_table": tok_table, "pos_table": pos_table, "W": W, "b": b}

def reference(idx, tok_table, pos_table, W, b):
    # token embedding gather: [B, T, E]
    tok_embeddings = jnp.take(tok_table, idx, axis=0)
    # position embedding gather over arange(T): [T, E]
    pos_embeddings = jnp.take(pos_table, jnp.arange(idx.shape[1]), axis=0)
    # lm head: [B, T, V]
    logits = (tok_embeddings + pos_embeddings[None, :, :]) @ W + b
    # targets=None path of the original forward -> loss is None; return logits
    return logits

if __name__ == "__main__":
    import jax
    _d = setup_inputs()
    print(jax.jit(kernel)(*tuple(_d.values())))

</pallas_src>

<mosaic_0001>
#map = affine_map<(d0, d1) -> (0)>
#map1 = affine_map<(d0, d1) -> (0, 0)>
module attributes {stable_mosaic.version = 14 : i64} {
  func.func @gather_kernel(%arg0: i32, %arg1: i32, %arg2: memref<768xi32, #tpu.memory_space<hbm>>, %arg3: memref<16x100000xf32, #tpu.memory_space<hbm>>, %arg4: memref<768x16xf32, #tpu.memory_space<hbm>>, %arg5: memref<32xi32, #tpu.memory_space<vmem>>, %arg6: memref<4x16x128xf32, #tpu.memory_space<vmem>>, %arg7: memref<24x16xf32, #tpu.memory_space<vmem>>, %arg8: memref<!tpu.dma_semaphore, #tpu.memory_space<semaphore_mem>>, %arg9: memref<!tpu.dma_semaphore, #tpu.memory_space<semaphore_mem>>, %arg10: memref<!tpu.dma_semaphore, #tpu.memory_space<semaphore_mem>>, %arg11: memref<!tpu.dma_semaphore, #tpu.memory_space<semaphore_mem>>) attributes {dimension_semantics = [#tpu.dimension_semantics<core_parallel>, #tpu.dimension_semantics<subcore_parallel>], iteration_bounds = array<i64: 2, 16>, scalar_prefetch = 0 : i64, scratch_operands = 7 : i64, tpu.core_type = #tpu.core_type<sc_vector_subcore>, window_params = [{transform_indices = #map}, {transform_indices = #map1}, {transform_indices = #map1}]} {
    %mul3A = arith.constant 2 : i32
    %mul3A_0 = arith.muli %arg1, %mul3A : i32
    %add3A = arith.addi %mul3A_0, %arg0 : i32
    %mul3A_1 = arith.constant 24 : i32
    %mul3A_2 = arith.muli %add3A, %mul3A_1 : i32
    "tpu.region"() ({
      %run_scoped3A = tpu.sem_alloc : memref<!tpu.dma_semaphore, #tpu.memory_space<semaphore_mem>>
      %dma_start3A_1312 = arith.constant 0 : i32
      %dma_start3A_1313 = tpu.memref_slice %arg5[%dma_start3A_1312] : memref<32xi32, #tpu.memory_space<vmem>> -> memref<24xi32, #tpu.memory_space<vmem>>
      %dma_start3A_1314 = tpu.memref_slice %arg2[%mul3A_2] : memref<768xi32, #tpu.memory_space<hbm>> -> memref<24xi32, #tpu.memory_space<hbm>>
      %dma_start3A_1315 = arith.constant 0 : i32
      %dma_start3A_1316 = tpu.memref_slice %arg5[%dma_start3A_1315] : memref<32xi32, #tpu.memory_space<vmem>> -> memref<24xi32, #tpu.memory_space<vmem>>
      %dma_start3A_1317 = tpu.memref_slice %arg2[%mul3A_2] : memref<768xi32, #tpu.memory_space<hbm>> -> memref<24xi32, #tpu.memory_space<hbm>>
      tpu.enqueue_dma source(%dma_start3A_1317 : memref<24xi32, #tpu.memory_space<hbm>>) target(%dma_start3A_1316 : memref<24xi32, #tpu.memory_space<vmem>>) target_semaphore(%run_scoped3A : memref<!tpu.dma_semaphore, #tpu.memory_space<semaphore_mem>>)
      %dma_wait3A_1318 = arith.constant 0 : i32
      %dma_wait3A_1319 = tpu.memref_slice %arg5[%dma_wait3A_1318] : memref<32xi32, #tpu.memory_space<vmem>> -> memref<24xi32, #tpu.memory_space<vmem>>
      %dma_wait3A_1320 = tpu.memref_slice %arg2[%mul3A_2] : memref<768xi32, #tpu.memory_space<hbm>> -> memref<24xi32, #tpu.memory_space<hbm>>
      %dma_wait3A_1321 = arith.constant 0 : i32
      %dma_wait3A_1322 = tpu.memref_slice %arg5[%dma_wait3A_1321] : memref<32xi32, #tpu.memory_space<vmem>> -> memref<24xi32, #tpu.memory_space<vmem>>
      %dma_wait3A_1323 = tpu.memref_slice %arg2[%mul3A_2] : memref<768xi32, #tpu.memory_space<hbm>> -> memref<24xi32, #tpu.memory_space<hbm>>
      tpu.wait_dma2 semaphore(%run_scoped3A : memref<!tpu.dma_semaphore, #tpu.memory_space<semaphore_mem>>) src(%dma_wait3A_1323 : memref<24xi32, #tpu.memory_space<hbm>>) dst(%dma_wait3A_1322 : memref<24xi32, #tpu.memory_space<vmem>>)
      tpu.yield
    }) : () -> ()
    %iota3A = tpu.iota {dimensions = array<i32: 0>} : vector<16xi32>
    %iota3A_3 = tpu.iota {dimensions = array<i32: 0>} : vector<16xi32>
    %get3A = arith.constant 0 : index
    %get3A_4 = tpu.vector_load %arg5[%get3A] {strides = array<i32>} : memref<32xi32, #tpu.memory_space<vmem>>, vector<16xi32>,
    %eq3A = arith.constant 0 : i32
    %eq3A_5 = vector.broadcast %eq3A : i32 to vector<16xi32>
    %eq3A_6 = arith.cmpi eq, %iota3A_3, %eq3A_5 : vector<16xi32>
    %jit3A = arith.constant 0 : i32
    %broadcast_in_dim3A = vector.broadcast %jit3A : i32 to vector<16xi32>
    %select_n3A = arith.select %eq3A_6, %get3A_4, %broadcast_in_dim3A : vector<16xi1>, vector<16xi32>
    %reduce_sum3A = arith.constant true
    %reduce_sum3A_7 = vector.broadcast %reduce_sum3A : i1 to vector<16xi1>
    %reduce_sum3A_8 = tpu.scan <sum>, %select_n3A masked %reduce_sum3A_7 : vector<16xi32>, vector<16xi1> -> vector<16xi32>
    %reduce_sum3A_9 = vector.extract %reduce_sum3A_8[15] : i32 from vector<16xi32>
    %shift_right_arithmetic3A = arith.constant 7 : i32
    %shift_right_arithmetic3A_10 = arith.shrsi %reduce_sum3A_9, %shift_right_arithmetic3A : i32
    %mul3A_11 = arith.constant 128 : i32
    %mul3A_12 = arith.muli %shift_right_arithmetic3A_10, %mul3A_11 : i32
    %dma_start3A = arith.constant 0 : i32
    %dma_start3A_13 = arith.constant 0 : i32
    %dma_start3A_14 = arith.constant 0 : i32
    %dma_start3A_15 = tpu.memref_slice %arg6[%dma_start3A, %dma_start3A_13, %dma_start3A_14] : memref<4x16x128xf32, #tpu.memory_space<vmem>> -> memref<1x16x128xf32, #tpu.memory_space<vmem>>
    %dma_start3A_16 = tpu.memref_squeeze %dma_start3A_15 : memref<1x16x128xf32, #tpu.memory_space<vmem>> -> memref<16x128xf32, #tpu.memory_space<vmem>>
    %dma_start3A_17 = arith.constant 0 : i32
    %dma_start3A_18 = tpu.memref_slice %arg3[%dma_start3A_17, %mul3A_12] : memref<16x100000xf32, #tpu.memory_space<hbm>> -> memref<16x128xf32, #tpu.memory_space<hbm>>
    %dma_start3A_19 = arith.constant 0 : i32
    %dma_start3A_20 = arith.constant 0 : i32
    %dma_start3A_21 = tpu.memref_slice %arg6[%dma_start3A, %dma_start3A_19, %dma_start3A_20] : memref<4x16x128xf32, #tpu.memory_space<vmem>> -> memref<1x16x128xf32, #tpu.memory_space<vmem>>
    %dma_start3A_22 = tpu.memref_squeeze %dma_start3A_21 : memref<1x16x128xf32, #tpu.memory_space<vmem>> -> memref<16x128xf32, #tpu.memory_space<vmem>>
    %dma_start3A_23 = arith.constant 0 : i32
    %dma_start3A_24 = tpu.memref_slice %arg3[%dma_start3A_23, %mul3A_12] : memref<16x100000xf32, #tpu.memory_space<hbm>> -> memref<16x128xf32, #tpu.memory_space<hbm>>
    tpu.enqueue_dma source(%dma_start3A_24 : memref<16x128xf32, #tpu.memory_space<hbm>>) target(%dma_start3A_22 : memref<16x128xf32, #tpu.memory_space<vmem>>) target_semaphore(%arg8 : memref<!tpu.dma_semaphore, #tpu.memory_space<semaphore_mem>>)
    %get3A_25 = arith.constant 0 : index
    %get3A_26 = tpu.vector_load %arg5[%get3A_25] {strides = array<i32>} : memref<32xi32, #tpu.memory_space<vmem>>, vector<16xi32>,
    %eq3A_27 = arith.constant 1 : i32
    %eq3A_28 = vector.broadcast %eq3A_27 : i32 to vector<16xi32>
    %eq3A_29 = arith.cmpi eq, %iota3A_3, %eq3A_28 : vector<16xi32>
    %jit3A_30 = arith.constant 0 : i32
    %broadcast_in_dim3A_31 = vector.broadcast %jit3A_30 : i32 to vector<16xi32>
    %select_n3A_32 = arith.select %eq3A_29, %get3A_26, %broadcast_in_dim3A_31 : vector<16xi1>, vector<16xi32>
    %reduce_sum3A_33 = arith.constant true
    %reduce_sum3A_34 = vector.broadcast %reduce_sum3A_33 : i1 to vector<16xi1>
    %reduce_sum3A_35 = tpu.scan <sum>, %select_n3A_32 masked %reduce_sum3A_34 : vector<16xi32>, vector<16xi1> -> vector<16xi32>
    %reduce_sum3A_36 = vector.extract %reduce_sum3A_35[15] : i32 from vector<16xi32>
    %shift_right_arithmetic3A_37 = arith.constant 7 : i32
    %shift_right_arithmetic3A_38 = arith.shrsi %reduce_sum3A_36, %shift_right_arithmetic3A_37 : i32
    %mul3A_39 = arith.constant 128 : i32
    %mul3A_40 = arith.muli %shift_right_arithmetic3A_38, %mul3A_39 : i32
    %dma_start3A_41 = arith.constant 1 : i32
    %dma_start3A_42 = arith.constant 0 : i32
    %dma_start3A_43 = arith.constant 0 : i32
    %dma_start3A_44 = tpu.memref_slice %arg6[%dma_start3A_41, %dma_start3A_42, %dma_start3A_43] : memref<4x16x128xf32, #tpu.memory_space<vmem>> -> memref<1x16x128xf32, #tpu.memory_space<vmem>>
    %dma_start3A_45 = tpu.memref_squeeze %dma_start3A_44 : memref<1x16x128xf32, #tpu.memory_space<vmem>> -> memref<16x128xf32, #tpu.memory_space<vmem>>
    %dma_start3A_46 = arith.constant 0 : i32
    %dma_start3A_47 = tpu.memref_slice %arg3[%dma_start3A_46, %mul3A_40] : memref<16x100000xf32, #tpu.memory_space<hbm>> -> memref<16x128xf32, #tpu.memory_space<hbm>>
    %dma_start3A_48 = arith.constant 0 : i32
    %dma_start3A_49 = arith.constant 0 : i32
    %dma_start3A_50 = tpu.memref_slice %arg6[%dma_start3A_41, %dma_start3A_48, %dma_start3A_49] : memref<4x16x128xf32, #tpu.memory_space<vmem>> -> memref<1x16x128xf32, #tpu.memory_space<vmem>>
    %dma_start3A_51 = tpu.memref_squeeze %dma_start3A_50 : memref<1x16x128xf32, #tpu.memory_space<vmem>> -> memref<16x128xf32, #tpu.memory_space<vmem>>
    %dma_start3A_52 = arith.constant 0 : i32
    %dma_start3A_53 = tpu.memref_slice %arg3[%dma_start3A_52, %mul3A_40] : memref<16x100000xf32, #tpu.memory_space<hbm>> -> memref<16x128xf32, #tpu.memory_space<hbm>>
    tpu.enqueue_dma source(%dma_start3A_53 : memref<16x128xf32, #tpu.memory_space<hbm>>) target(%dma_start3A_51 : memref<16x128xf32, #tpu.memory_space<vmem>>) target_semaphore(%arg9 : memref<!tpu.dma_semaphore, #tpu.memory_space<semaphore_mem>>)
    %get3A_54 = arith.constant 0 : index
    %get3A_55 = tpu.vector_load %arg5[%get3A_54] {strides = array<i32>} : memref<32xi32, #tpu.memory_space<vmem>>, vector<16xi32>,
    %eq3A_56 = arith.constant 2 : i32
    %eq3A_57 = vector.broadcast %eq3A_56 : i32 to vector<16xi32>
    %eq3A_58 = arith.cmpi eq, %iota3A_3, %eq3A_57 : vector<16xi32>
    %jit3A_59 = arith.constant 0 : i32
    %broadcast_in_dim3A_60 = vector.broadcast %jit3A_59 : i32 to vector<16xi32>
    %select_n3A_61 = arith.select %eq3A_58, %get3A_55, %broadcast_in_dim3A_60 : vector<16xi1>, vector<16xi32>
    %reduce_sum3A_62 = arith.constant true
    %reduce_sum3A_63 = vector.broadcast %reduce_sum3A_62 : i1 to vector<16xi1>
    %reduce_sum3A_64 = tpu.scan <sum>, %select_n3A_61 masked %reduce_sum3A_63 : vector<16xi32>, vector<16xi1> -> vector<16xi32>
    %reduce_sum3A_65 = vector.extract %reduce_sum3A_64[15] : i32 from vector<16xi32>
    %shift_right_arithmetic3A_66 = arith.constant 7 : i32
    %shift_right_arithmetic3A_67 = arith.shrsi %reduce_sum3A_65, %shift_right_arithmetic3A_66 : i32
    %mul3A_68 = arith.constant 128 : i32
    %mul3A_69 = arith.muli %shift_right_arithmetic3A_67, %mul3A_68 : i32
    %dma_start3A_70 = arith.constant 2 : i32
    %dma_start3A_71 = arith.constant 0 : i32
    %dma_start3A_72 = arith.constant 0 : i32
    %dma_start3A_73 = tpu.memref_slice %arg6[%dma_start3A_70, %dma_start3A_71, %dma_start3A_72] : memref<4x16x128xf32, #tpu.memory_space<vmem>> -> memref<1x16x128xf32, #tpu.memory_space<vmem>>
    %dma_start3A_74 = tpu.memref_squeeze %dma_start3A_73 : memref<1x16x128xf32, #tpu.memory_space<vmem>> -> memref<16x128xf32, #tpu.memory_space<vmem>>
    %dma_start3A_75 = arith.constant 0 : i32
    %dma_start3A_76 = tpu.memref_slice %arg3[%dma_start3A_75, %mul3A_69] : memref<16x100000xf32, #tpu.memory_space<hbm>> -> memref<16x128xf32, #tpu.memory_space<hbm>>
    %dma_start3A_77 = arith.constant 0 : i32
    %dma_start3A_78 = arith.constant 0 : i32
    %dma_start3A_79 = tpu.memref_slice %arg6[%dma_start3A_70, %dma_start3A_77, %dma_start3A_78] : memref<4x16x128xf32, #tpu.memory_space<vmem>> -> memref<1x16x128xf32, #tpu.memory_space<vmem>>
    %dma_start3A_80 = tpu.memref_squeeze %dma_start3A_79 : memref<1x16x128xf32, #tpu.memory_space<vmem>> -> memref<16x128xf32, #tpu.memory_space<vmem>>
    %dma_start3A_81 = arith.constant 0 : i32
    %dma_start3A_82 = tpu.memref_slice %arg3[%dma_start3A_81, %mul3A_69] : memref<16x100000xf32, #tpu.memory_space<hbm>> -> memref<16x128xf32, #tpu.memory_space<hbm>>
    tpu.enqueue_dma source(%dma_start3A_82 : memref<16x128xf32, #tpu.memory_space<hbm>>) target(%dma_start3A_80 : memref<16x128xf32, #tpu.memory_space<vmem>>) target_semaphore(%arg10 : memref<!tpu.dma_semaphore, #tpu.memory_space<semaphore_mem>>)
    %dma_wait3A = arith.constant 0 : i32
    %dma_wait3A_83 = arith.constant 0 : i32
    %dma_wait3A_84 = arith.constant 0 : i32
    %dma_wait3A_85 = tpu.memref_slice %arg6[%dma_wait3A, %dma_wait3A_83, %dma_wait3A_84] : memref<4x16x128xf32, #tpu.memory_space<vmem>> -> memref<1x16x128xf32, #tpu.memory_space<vmem>>
    %dma_wait3A_86 = tpu.memref_squeeze %dma_wait3A_85 : memref<1x16x128xf32, #tpu.memory_space<vmem>> -> memref<16x128xf32, #tpu.memory_space<vmem>>
    %dma_wait3A_87 = arith.constant 0 : i32
    %dma_wait3A_88 = tpu.memref_slice %arg3[%dma_wait3A_87, %mul3A_12] : memref<16x100000xf32, #tpu.memory_space<hbm>> -> memref<16x128xf32, #tpu.memory_space<hbm>>
    %dma_wait3A_89 = arith.constant 0 : i32
    %dma_wait3A_90 = arith.constant 0 : i32
    %dma_wait3A_91 = tpu.memref_slice %arg6[%dma_wait3A, %dma_wait3A_89, %dma_wait3A_90] : memref<4x16x128xf32, #tpu.memory_space<vmem>> -> memref<1x16x128xf32, #tpu.memory_space<vmem>>
    %dma_wait3A_92 = tpu.memref_squeeze %dma_wait3A_91 : memref<1x16x128xf32, #tpu.memory_space<vmem>> -> memref<16x128xf32, #tpu.memory_space<vmem>>
    %dma_wait3A_93 = arith.constant 0 : i32
    %dma_wait3A_94 = tpu.memref_slice %arg3[%dma_wait3A_93, %mul3A_12] : memref<16x100000xf32, #tpu.memory_space<hbm>> -> memref<16x128xf32, #tpu.memory_space<hbm>>
    tpu.wait_dma2 semaphore(%arg8 : memref<!tpu.dma_semaphore, #tpu.memory_space<semaphore_mem>>) src(%dma_wait3A_94 : memref<16x128xf32, #tpu.memory_space<hbm>>) dst(%dma_wait3A_92 : memref<16x128xf32, #tpu.memory_space<vmem>>)
    %and3A = arith.constant 127 : i32
    %and3A_95 = arith.andi %reduce_sum3A_9, %and3A : i32
    %broadcast_in_dim3A_96 = vector.broadcast %and3A_95 : i32 to vector<16xi32>
    %gather3A = arith.constant 0 : i32
    %gather3A_97 = arith.constant 0 : i32
    %gather3A_98 = arith.constant 0 : i32
    %gather3A_99 = tpu.memref_slice %arg6[%gather3A, %gather3A_97, %gather3A_98] : memref<4x16x128xf32, #tpu.memory_space<vmem>> -> memref<1x16x128xf32, #tpu.memory_space<vmem>>
    %gather3A_100 = tpu.memref_squeeze %gather3A_99 : memref<1x16x128xf32, #tpu.memory_space<vmem>> -> memref<16x128xf32, #tpu.memory_space<vmem>>
    %gather3A_101 = tpu.vector_load_idx %gather3A_100[%iota3A, %broadcast_in_dim3A_96] : memref<16x128xf32, #tpu.memory_space<vmem>>[vector<16xi32>, vector<16xi32>], vector<16xf32>,
    %swap3A = arith.constant 0 : i32
    %swap3A_102 = arith.index_cast %swap3A : i32 to index
    %swap3A_103 = arith.constant 0 : index
    %swap3A_104 = tpu.vector_load %arg7[%swap3A_102, %swap3A_103] {strides = array<i32>} : memref<24x16xf32, #tpu.memory_space<vmem>>, vector<16xf32>,
    tpu.vector_store %arg7[%swap3A_102, %swap3A_103], %gather3A_101 {strides = array<i32>} : memref<24x16xf32, #tpu.memory_space<vmem>>, vector<16xf32>,
    %get3A_105 = arith.constant 0 : index
    %get3A_106 = tpu.vector_load %arg5[%get3A_105] {strides = array<i32>} : memref<32xi32, #tpu.memory_space<vmem>>, vector<16xi32>,
    %eq3A_107 = arith.constant 3 : i32
    %eq3A_108 = vector.broadcast %eq3A_107 : i32 to vector<16xi32>
    %eq3A_109 = arith.cmpi eq, %iota3A_3, %eq3A_108 : vector<16xi32>
    %jit3A_110 = arith.constant 0 : i32
    %broadcast_in_dim3A_111 = vector.broadcast %jit3A_110 : i32 to vector<16xi32>
    %select_n3A_112 = arith.select %eq3A_109, %get3A_106, %broadcast_in_dim3A_111 : vector<16xi1>, vector<16xi32>
    %reduce_sum3A_113 = arith.constant true
    %reduce_sum3A_114 = vector.broadcast %reduce_sum3A_113 : i1 to vector<16xi1>
    %reduce_sum3A_115 = tpu.scan <sum>, %select_n3A_112 masked %reduce_sum3A_114 : vector<16xi32>, vector<16xi1> -> vector<16xi32>
    %reduce_sum3A_116 = vector.extract %reduce_sum3A_115[15] : i32 from vector<16xi32>
    %shift_right_arithmetic3A_117 = arith.constant 7 : i32
    %shift_right_arithmetic3A_118 = arith.shrsi %reduce_sum3A_116, %shift_right_arithmetic3A_117 : i32
    %mul3A_119 = arith.constant 128 : i32
    %mul3A_120 = arith.muli %shift_right_arithmetic3A_118, %mul3A_119 : i32
    %dma_start3A_121 = arith.constant 3 : i32
    %dma_start3A_122 = arith.constant 0 : i32
    %dma_start3A_123 = arith.constant 0 : i32
    %dma_start3A_124 = tpu.memref_slice %arg6[%dma_start3A_121, %dma_start3A_122, %dma_start3A_123] : memref<4x16x128xf32, #tpu.memory_space<vmem>> -> memref<1x16x128xf32, #tpu.memory_space<vmem>>
    %dma_start3A_125 = tpu.memref_squeeze %dma_start3A_124 : memref<1x16x128xf32, #tpu.memory_space<vmem>> -> memref<16x128xf32, #tpu.memory_space<vmem>>
    %dma_start3A_126 = arith.constant 0 : i32
    %dma_start3A_127 = tpu.memref_slice %arg3[%dma_start3A_126, %mul3A_120] : memref<16x100000xf32, #tpu.memory_space<hbm>> -> memref<16x128xf32, #tpu.memory_space<hbm>>
    %dma_start3A_128 = arith.constant 0 : i32
    %dma_start3A_129 = arith.constant 0 : i32
    %dma_start3A_130 = tpu.memref_slice %arg6[%dma_start3A_121, %dma_start3A_128, %dma_start3A_129] : memref<4x16x128xf32, #tpu.memory_space<vmem>> -> memref<1x16x128xf32, #tpu.memory_space<vmem>>
    %dma_start3A_131 = tpu.memref_squeeze %dma_start3A_130 : memref<1x16x128xf32, #tpu.memory_space<vmem>> -> memref<16x128xf32, #tpu.memory_space<vmem>>
    %dma_start3A_132 = arith.constant 0 : i32
    %dma_start3A_133 = tpu.memref_slice %arg3[%dma_start3A_132, %mul3A_120] : memref<16x100000xf32, #tpu.memory_space<hbm>> -> memref<16x128xf32, #tpu.memory_space<hbm>>
    tpu.enqueue_dma source(%dma_start3A_133 : memref<16x128xf32, #tpu.memory_space<hbm>>) target(%dma_start3A_131 : memref<16x128xf32, #tpu.memory_space<vmem>>) target_semaphore(%arg11 : memref<!tpu.dma_semaphore, #tpu.memory_space<semaphore_mem>>)
    %dma_wait3A_134 = arith.constant 1 : i32
    %dma_wait3A_135 = arith.constant 0 : i32
    %dma_wait3A_136 = arith.constant 0 : i32
    %dma_wait3A_137 = tpu.memref_slice %arg6[%dma_wait3A_134, %dma_wait3A_135, %dma_wait3A_136] : memref<4x16x128xf32, #tpu.memory_space<vmem>> -> memref<1x16x128xf32, #tpu.memory_space<vmem>>
    %dma_wait3A_138 = tpu.memref_squeeze %dma_wait3A_137 : memref<1x16x128xf32, #tpu.memory_space<vmem>> -> memref<16x128xf32, #tpu.memory_space<vmem>>
    %dma_wait3A_139 = arith.constant 0 : i32
    %dma_wait3A_140 = tpu.memref_slice %arg3[%dma_wait3A_139, %mul3A_40] : memref<16x100000xf32, #tpu.memory_space<hbm>> -> memref<16x128xf32, #tpu.memory_space<hbm>>
    %dma_wait3A_141 = arith.constant 0 : i32
    %dma_wait3A_142 = arith.constant 0 : i32
    %dma_wait3A_143 = tpu.memref_slice %arg6[%dma_wait3A_134, %dma_wait3A_141, %dma_wait3A_142] : memref<4x16x128xf32, #tpu.memory_space<vmem>> -> memref<1x16x128xf32, #tpu.memory_space<vmem>>
    %dma_wait3A_144 = tpu.memref_squeeze %dma_wait3A_143 : memref<1x16x128xf32, #tpu.memory_space<vmem>> -> memref<16x128xf32, #tpu.memory_space<vmem>>
    %dma_wait3A_145 = arith.constant 0 : i32
    %dma_wait3A_146 = tpu.memref_slice %arg3[%dma_wait3A_145, %mul3A_40] : memref<16x100000xf32, #tpu.memory_space<hbm>> -> memref<16x128xf32, #tpu.memory_space<hbm>>
    tpu.wait_dma2 semaphore(%arg9 : memref<!tpu.dma_semaphore, #tpu.memory_space<semaphore_mem>>) src(%dma_wait3A_146 : memref<16x128xf32, #tpu.memory_space<hbm>>) dst(%dma_wait3A_144 : memref<16x128xf32, #tpu.memory_space<vmem>>)
    %and3A_147 = arith.constant 127 : i32
    %and3A_148 = arith.andi %reduce_sum3A_36, %and3A_147 : i32
    %broadcast_in_dim3A_149 = vector.broadcast %and3A_148 : i32 to vector<16xi32>
    %gather3A_150 = arith.constant 1 : i32
    %gather3A_151 = arith.constant 0 : i32
    %gather3A_152 = arith.constant 0 : i32
    %gather3A_153 = tpu.memref_slice %arg6[%gather3A_150, %gather3A_151, %gather3A_152] : memref<4x16x128xf32, #tpu.memory_space<vmem>> -> memref<1x16x128xf32, #tpu.memory_space<vmem>>
    %gather3A_154 = tpu.memref_squeeze %gather3A_153 : memref<1x16x128xf32, #tpu.memory_space<vmem>> -> memref<16x128xf32, #tpu.memory_space<vmem>>
    %gather3A_155 = tpu.vector_load_idx %gather3A_154[%iota3A, %broadcast_in_dim3A_149] : memref<16x128xf32, #tpu.memory_space<vmem>>[vector<16xi32>, vector<16xi32>], vector<16xf32>,
    %swap3A_156 = arith.constant 1 : i32
    %swap3A_157 = arith.index_cast %swap3A_156 : i32 to index
    %swap3A_158 = arith.constant 0 : index
    %swap3A_159 = tpu.vector_load %arg7[%swap3A_157, %swap3A_158] {strides = array<i32>} : memref<24x16xf32, #tpu.memory_space<vmem>>, vector<16xf32>,
    tpu.vector_store %arg7[%swap3A_157, %swap3A_158], %gather3A_155 {strides = array<i32>} : memref<24x16xf32, #tpu.memory_space<vmem>>, vector<16xf32>,
    %get3A_160 = arith.constant 0 : index
    %get3A_161 = tpu.vector_load %arg5[%get3A_160] {strides = array<i32>} : memref<32xi32, #tpu.memory_space<vmem>>, vector<16xi32>,
    %eq3A_162 = arith.constant 4 : i32
    %eq3A_163 = vector.broadcast %eq3A_162 : i32 to vector<16xi32>
    %eq3A_164 = arith.cmpi eq, %iota3A_3, %eq3A_163 : vector<16xi32>
    %jit3A_165 = arith.constant 0 : i32
    %broadcast_in_dim3A_166 = vector.broadcast %jit3A_165 : i32 to vector<16xi32>
    %select_n3A_167 = arith.select %eq3A_164, %get3A_161, %broadcast_in_dim3A_166 : vector<16xi1>, vector<16xi32>
    %reduce_sum3A_168 = arith.constant true
    %reduce_sum3A_169 = vector.broadcast %reduce_sum3A_168 : i1 to vector<16xi1>
    %reduce_sum3A_170 = tpu.scan <sum>, %select_n3A_167 masked %reduce_sum3A_169 : vector<16xi32>, vector<16xi1> -> vector<16xi32>
    %reduce_sum3A_171 = vector.extract %reduce_sum3A_170[15] : i32 from vector<16xi32>
    %shift_right_arithmetic3A_172 = arith.constant 7 : i32
    %shift_right_arithmetic3A_173 = arith.shrsi %reduce_sum3A_171, %shift_right_arithmetic3A_172 : i32
    %mul3A_174 = arith.constant 128 : i32
    %mul3A_175 = arith.muli %shift_right_arithmetic3A_173, %mul3A_174 : i32
    %dma_start3A_176 = arith.constant 0 : i32
    %dma_start3A_177 = arith.constant 0 : i32
    %dma_start3A_178 = arith.constant 0 : i32
    %dma_start3A_179 = tpu.memref_slice %arg6[%dma_start3A_176, %dma_start3A_177, %dma_start3A_178] : memref<4x16x128xf32, #tpu.memory_space<vmem>> -> memref<1x16x128xf32, #tpu.memory_space<vmem>>
    %dma_start3A_180 = tpu.memref_squeeze %dma_start3A_179 : memref<1x16x128xf32, #tpu.memory_space<vmem>> -> memref<16x128xf32, #tpu.memory_space<vmem>>
    %dma_start3A_181 = arith.constant 0 : i32
    %dma_start3A_182 = tpu.memref_slice %arg3[%dma_start3A_181, %mul3A_175] : memref<16x100000xf32, #tpu.memory_space<hbm>> -> memref<16x128xf32, #tpu.memory_space<hbm>>
    %dma_start3A_183 = arith.constant 0 : i32
    %dma_start3A_184 = arith.constant 0 : i32
    %dma_start3A_185 = tpu.memref_slice %arg6[%dma_start3A_176, %dma_start3A_183, %dma_start3A_184] : memref<4x16x128xf32, #tpu.memory_space<vmem>> -> memref<1x16x128xf32, #tpu.memory_space<vmem>>
    %dma_start3A_186 = tpu.memref_squeeze %dma_start3A_185 : memref<1x16x128xf32, #tpu.memory_space<vmem>> -> memref<16x128xf32, #tpu.memory_space<vmem>>
    %dma_start3A_187 = arith.constant 0 : i32
    %dma_start3A_188 = tpu.memref_slice %arg3[%dma_start3A_187, %mul3A_175] : memref<16x100000xf32, #tpu.memory_space<hbm>> -> memref<16x128xf32, #tpu.memory_space<hbm>>
    tpu.enqueue_dma source(%dma_start3A_188 : memref<16x128xf32, #tpu.memory_space<hbm>>) target(%dma_start3A_186 : memref<16x128xf32, #tpu.memory_space<vmem>>) target_semaphore(%arg8 : memref<!tpu.dma_semaphore, #tpu.memory_space<semaphore_mem>>)
    %dma_wait3A_189 = arith.constant 2 : i32
    %dma_wait3A_190 = arith.constant 0 : i32
    %dma_wait3A_191 = arith.constant 0 : i32
    %dma_wait3A_192 = tpu.memref_slice %arg6[%dma_wait3A_189, %dma_wait3A_190, %dma_wait3A_191] : memref<4x16x128xf32, #tpu.memory_space<vmem>> -> memref<1x16x128xf32, #tpu.memory_space<vmem>>
    %dma_wait3A_193 = tpu.memref_squeeze %dma_wait3A_192 : memref<1x16x128xf32, #tpu.memory_space<vmem>> -> memref<16x128xf32, #tpu.memory_space<vmem>>
    %dma_wait3A_194 = arith.constant 0 : i32
    %dma_wait3A_195 = tpu.memref_slice %arg3[%dma_wait3A_194, %mul3A_69] : memref<16x100000xf32, #tpu.memory_space<hbm>> -> memref<16x128xf32, #tpu.memory_space<hbm>>
    %dma_wait3A_196 = arith.constant 0 : i32
    %dma_wait3A_197 = arith.constant 0 : i32
    %dma_wait3A_198 = tpu.memref_slice %arg6[%dma_wait3A_189, %dma_wait3A_196, %dma_wait3A_197] : memref<4x16x128xf32, #tpu.memory_space<vmem>> -> memref<1x16x128xf32, #tpu.memory_space<vmem>>
    %dma_wait3A_199 = tpu.memref_squeeze %dma_wait3A_198 : memref<1x16x128xf32, #tpu.memory_space<vmem>> -> memref<16x128xf32, #tpu.memory_space<vmem>>
    %dma_wait3A_200 = arith.constant 0 : i32
    %dma_wait3A_201 = tpu.memref_slice %arg3[%dma_wait3A_200, %mul3A_69] : memref<16x100000xf32, #tpu.memory_space<hbm>> -> memref<16x128xf32, #tpu.memory_space<hbm>>
    tpu.wait_dma2 semaphore(%arg10 : memref<!tpu.dma_semaphore, #tpu.memory_space<semaphore_mem>>) src(%dma_wait3A_201 : memref<16x128xf32, #tpu.memory_space<hbm>>) dst(%dma_wait3A_199 : memref<16x128xf32, #tpu.memory_space<vmem>>)
    %and3A_202 = arith.constant 127 : i32
    %and3A_203 = arith.andi %reduce_sum3A_65, %and3A_202 : i32
    %broadcast_in_dim3A_204 = vector.broadcast %and3A_203 : i32 to vector<16xi32>
    %gather3A_205 = arith.constant 2 : i32
    %gather3A_206 = arith.constant 0 : i32
    %gather3A_207 = arith.constant 0 : i32
    %gather3A_208 = tpu.memref_slice %arg6[%gather3A_205, %gather3A_206, %gather3A_207] : memref<4x16x128xf32, #tpu.memory_space<vmem>> -> memref<1x16x128xf32, #tpu.memory_space<vmem>>
    %gather3A_209 = tpu.memref_squeeze %gather3A_208 : memref<1x16x128xf32, #tpu.memory_space<vmem>> -> memref<16x128xf32, #tpu.memory_space<vmem>>
    %gather3A_210 = tpu.vector_load_idx %gather3A_209[%iota3A, %broadcast_in_dim3A_204] : memref<16x128xf32, #tpu.memory_space<vmem>>[vector<16xi32>, vector<16xi32>], vector<16xf32>,
    %swap3A_211 = arith.constant 2 : i32
    %swap3A_212 = arith.index_cast %swap3A_211 : i32 to index
    %swap3A_213 = arith.constant 0 : index
    %swap3A_214 = tpu.vector_load %arg7[%swap3A_212, %swap3A_213] {strides = array<i32>} : memref<24x16xf32, #tpu.memory_space<vmem>>, vector<16xf32>,
    tpu.vector_store %arg7[%swap3A_212, %swap3A_213], %gather3A_210 {strides = array<i32>} : memref<24x16xf32, #tpu.memory_space<vmem>>, vector<16xf32>,
    %get3A_215 = arith.constant 0 : index
    %get3A_216 = tpu.vector_load %arg5[%get3A_215] {strides = array<i32>} : memref<32xi32, #tpu.memory_space<vmem>>, vector<16xi32>,
    %eq3A_217 = arith.constant 5 : i32
    %eq3A_218 = vector.broadcast %eq3A_217 : i32 to vector<16xi32>
    %eq3A_219 = arith.cmpi eq, %iota3A_3, %eq3A_218 : vector<16xi32>
    %jit3A_220 = arith.constant 0 : i32
    %broadcast_in_dim3A_221 = vector.broadcast %jit3A_220 : i32 to vector<16xi32>
    %select_n3A_222 = arith.select %eq3A_219, %get3A_216, %broadcast_in_dim3A_221 : vector<16xi1>, vector<16xi32>
    %reduce_sum3A_223 = arith.constant true
    %reduce_sum3A_224 = vector.broadcast %reduce_sum3A_223 : i1 to vector<16xi1>
    %reduce_sum3A_225 = tpu.scan <sum>, %select_n3A_222 masked %reduce_sum3A_224 : vector<16xi32>, vector<16xi1> -> vector<16xi32>
    %reduce_sum3A_226 = vector.extract %reduce_sum3A_225[15] : i32 from vector<16xi32>
    %shift_right_arithmetic3A_227 = arith.constant 7 : i32
    %shift_right_arithmetic3A_228 = arith.shrsi %reduce_sum3A_226, %shift_right_arithmetic3A_227 : i32
    %mul3A_229 = arith.constant 128 : i32
    %mul3A_230 = arith.muli %shift_right_arithmetic3A_228, %mul3A_229 : i32
    %dma_start3A_231 = arith.constant 1 : i32
    %dma_start3A_232 = arith.constant 0 : i32
    %dma_start3A_233 = arith.constant 0 : i32
    %dma_start3A_234 = tpu.memref_slice %arg6[%dma_start3A_231, %dma_start3A_232, %dma_start3A_233] : memref<4x16x128xf32, #tpu.memory_space<vmem>> -> memref<1x16x128xf32, #tpu.memory_space<vmem>>
    %dma_start3A_235 = tpu.memref_squeeze %dma_start3A_234 : memref<1x16x128xf32, #tpu.memory_space<vmem>> -> memref<16x128xf32, #tpu.memory_space<vmem>>
    %dma_start3A_236 = arith.constant 0 : i32
    %dma_start3A_237 = tpu.memref_slice %arg3[%dma_start3A_236, %mul3A_230] : memref<16x100000xf32, #tpu.memory_space<hbm>> -> memref<16x128xf32, #tpu.memory_space<hbm>>
    %dma_start3A_238 = arith.constant 0 : i32
    %dma_start3A_239 = arith.constant 0 : i32
    %dma_start3A_240 = tpu.memref_slice %arg6[%dma_start3A_231, %dma_start3A_238, %dma_start3A_239] : memref<4x16x128xf32, #tpu.memory_space<vmem>> -> memref<1x16x128xf32, #tpu.memory_space<vmem>>
    %dma_start3A_241 = tpu.memref_squeeze %dma_start3A_240 : memref<1x16x128xf32, #tpu.memory_space<vmem>> -> memref<16x128xf32, #tpu.memory_space<vmem>>
    %dma_start3A_242 = arith.constant 0 : i32
    %dma_start3A_243 = tpu.memref_slice %arg3[%dma_start3A_242, %mul3A_230] : memref<16x100000xf32, #tpu.memory_space<hbm>> -> memref<16x128xf32, #tpu.memory_space<hbm>>
    tpu.enqueue_dma source(%dma_start3A_243 : memref<16x128xf32, #tpu.memory_space<hbm>>) target(%dma_start3A_241 : memref<16x128xf32, #tpu.memory_space<vmem>>) target_semaphore(%arg9 : memref<!tpu.dma_semaphore, #tpu.memory_space<semaphore_mem>>)
    %dma_wait3A_244 = arith.constant 3 : i32
    %dma_wait3A_245 = arith.constant 0 : i32
    %dma_wait3A_246 = arith.constant 0 : i32
    %dma_wait3A_247 = tpu.memref_slice %arg6[%dma_wait3A_244, %dma_wait3A_245, %dma_wait3A_246] : memref<4x16x128xf32, #tpu.memory_space<vmem>> -> memref<1x16x128xf32, #tpu.memory_space<vmem>>
    %dma_wait3A_248 = tpu.memref_squeeze %dma_wait3A_247 : memref<1x16x128xf32, #tpu.memory_space<vmem>> -> memref<16x128xf32, #tpu.memory_space<vmem>>
    %dma_wait3A_249 = arith.constant 0 : i32
    %dma_wait3A_250 = tpu.memref_slice %arg3[%dma_wait3A_249, %mul3A_120] : memref<16x100000xf32, #tpu.memory_space<hbm>> -> memref<16x128xf32, #tpu.memory_space<hbm>>
    %dma_wait3A_251 = arith.constant 0 : i32
    %dma_wait3A_252 = arith.constant 0 : i32
    %dma_wait3A_253 = tpu.memref_slice %arg6[%dma_wait3A_244, %dma_wait3A_251, %dma_wait3A_252] : memref<4x16x128xf32, #tpu.memory_space<vmem>> -> memref<1x16x128xf32, #tpu.memory_space<vmem>>
    %dma_wait3A_254 = tpu.memref_squeeze %dma_wait3A_253 : memref<1x16x128xf32, #tpu.memory_space<vmem>> -> memref<16x128xf32, #tpu.memory_space<vmem>>
    %dma_wait3A_255 = arith.constant 0 : i32
    %dma_wait3A_256 = tpu.memref_slice %arg3[%dma_wait3A_255, %mul3A_120] : memref<16x100000xf32, #tpu.memory_space<hbm>> -> memref<16x128xf32, #tpu.memory_space<hbm>>
    tpu.wait_dma2 semaphore(%arg11 : memref<!tpu.dma_semaphore, #tpu.memory_space<semaphore_mem>>) src(%dma_wait3A_256 : memref<16x128xf32, #tpu.memory_space<hbm>>) dst(%dma_wait3A_254 : memref<16x128xf32, #tpu.memory_space<vmem>>)
    %and3A_257 = arith.constant 127 : i32
    %and3A_258 = arith.andi %reduce_sum3A_116, %and3A_257 : i32
    %broadcast_in_dim3A_259 = vector.broadcast %and3A_258 : i32 to vector<16xi32>
    %gather3A_260 = arith.constant 3 : i32
    %gather3A_261 = arith.constant 0 : i32
    %gather3A_262 = arith.constant 0 : i32
    %gather3A_263 = tpu.memref_slice %arg6[%gather3A_260, %gather3A_261, %gather3A_262] : memref<4x16x128xf32, #tpu.memory_space<vmem>> -> memref<1x16x128xf32, #tpu.memory_space<vmem>>
    %gather3A_264 = tpu.memref_squeeze %gather3A_263 : memref<1x16x128xf32, #tpu.memory_space<vmem>> -> memref<16x128xf32, #tpu.memory_space<vmem>>
    %gather3A_265 = tpu.vector_load_idx %gather3A_264[%iota3A, %broadcast_in_dim3A_259] : memref<16x128xf32, #tpu.memory_space<vmem>>[vector<16xi32>, vector<16xi32>], vector<16xf32>,
    %swap3A_266 = arith.constant 3 : i32
    %swap3A_267 = arith.index_cast %swap3A_266 : i32 to index
    %swap3A_268 = arith.constant 0 : index
    %swap3A_269 = tpu.vector_load %arg7[%swap3A_267, %swap3A_268] {strides = array<i32>} : memref<24x16xf32, #tpu.memory_space<vmem>>, vector<16xf32>,
    tpu.vector_store %arg7[%swap3A_267, %swap3A_268], %gather3A_265 {strides = array<i32>} : memref<24x16xf32, #tpu.memory_space<vmem>>, vector<16xf32>,
    %get3A_270 = arith.constant 0 : index
    %get3A_271 = tpu.vector_load %arg5[%get3A_270] {strides = array<i32>} : memref<32xi32, #tpu.memory_space<vmem>>, vector<16xi32>,
    %eq3A_272 = arith.constant 6 : i32
    %eq3A_273 = vector.broadcast %eq3A_272 : i32 to vector<16xi32>
    %eq3A_274 = arith.cmpi eq, %iota3A_3, %eq3A_273 : vector<16xi32>
    %jit3A_275 = arith.constant 0 : i32
    %broadcast_in_dim3A_276 = vector.broadcast %jit3A_275 : i32 to vector<16xi32>
    %select_n3A_277 = arith.select %eq3A_274, %get3A_271, %broadcast_in_dim3A_276 : vector<16xi1>, vector<16xi32>
    %reduce_sum3A_278 = arith.constant true
    %reduce_sum3A_279 = vector.broadcast %reduce_sum3A_278 : i1 to vector<16xi1>
    %reduce_sum3A_280 = tpu.scan <sum>, %select_n3A_277 masked %reduce_sum3A_279 : vector<16xi32>, vector<16xi1> -> vector<16xi32>
    %reduce_sum3A_281 = vector.extract %reduce_sum3A_280[15] : i32 from vector<16xi32>
    %shift_right_arithmetic3A_282 = arith.constant 7 : i32
    %shift_right_arithmetic3A_283 = arith.shrsi %reduce_sum3A_281, %shift_right_arithmetic3A_282 : i32
    %mul3A_284 = arith.constant 128 : i32
    %mul3A_285 = arith.muli %shift_right_arithmetic3A_283, %mul3A_284 : i32
    %dma_start3A_286 = arith.constant 2 : i32
    %dma_start3A_287 = arith.constant 0 : i32
    %dma_start3A_288 = arith.constant 0 : i32
    %dma_start3A_289 = tpu.memref_slice %arg6[%dma_start3A_286, %dma_start3A_287, %dma_start3A_288] : memref<4x16x128xf32, #tpu.memory_space<vmem>> -> memref<1x16x128xf32, #tpu.memory_space<vmem>>
    %dma_start3A_290 = tpu.memref_squeeze %dma_start3A_289 : memref<1x16x128xf32, #tpu.memory_space<vmem>> -> memref<16x128xf32, #tpu.memory_space<vmem>>
    %dma_start3A_291 = arith.constant 0 : i32
    %dma_start3A_292 = tpu.memref_slice %arg3[%dma_start3A_291, %mul3A_285] : memref<16x100000xf32, #tpu.memory_space<hbm>> -> memref<16x128xf32, #tpu.memory_space<hbm>>
    %dma_start3A_293 = arith.constant 0 : i32
    %dma_start3A_294 = arith.constant 0 : i32
    %dma_start3A_295 = tpu.memref_slice %arg6[%dma_start3A_286, %dma_start3A_293, %dma_start3A_294] : memref<4x16x128xf32, #tpu.memory_space<vmem>> -> memref<1x16x128xf32, #tpu.memory_space<vmem>>
    %dma_start3A_296 = tpu.memref_squeeze %dma_start3A_295 : memref<1x16x128xf32, #tpu.memory_space<vmem>> -> memref<16x128xf32, #tpu.memory_space<vmem>>
    %dma_start3A_297 = arith.constant 0 : i32
    %dma_start3A_298 = tpu.memref_slice %arg3[%dma_start3A_297, %mul3A_285] : memref<16x100000xf32, #tpu.memory_space<hbm>> -> memref<16x128xf32, #tpu.memory_space<hbm>>
    tpu.enqueue_dma source(%dma_start3A_298 : memref<16x128xf32, #tpu.memory_space<hbm>>) target(%dma_start3A_296 : memref<16x128xf32, #tpu.memory_space<vmem>>) target_semaphore(%arg10 : memref<!tpu.dma_semaphore, #tpu.memory_space<semaphore_mem>>)
    %dma_wait3A_299 = arith.constant 0 : i32
    %dma_wait3A_300 = arith.constant 0 : i32
    %dma_wait3A_301 = arith.constant 0 : i32
    %dma_wait3A_302 = tpu.memref_slice %arg6[%dma_wait3A_299, %dma_wait3A_300, %dma_wait3A_301] : memref<4x16x128xf32, #tpu.memory_space<vmem>> -> memref<1x16x128xf32, #tpu.memory_space<vmem>>
    %dma_wait3A_303 = tpu.memref_squeeze %dma_wait3A_302 : memref<1x16x128xf32, #tpu.memory_space<vmem>> -> memref<16x128xf32, #tpu.memory_space<vmem>>
    %dma_wait3A_304 = arith.constant 0 : i32
    %dma_wait3A_305 = tpu.memref_slice %arg3[%dma_wait3A_304, %mul3A_175] : memref<16x100000xf32, #tpu.memory_space<hbm>> -> memref<16x128xf32, #tpu.memory_space<hbm>>
    %dma_wait3A_306 = arith.constant 0 : i32
    %dma_wait3A_307 = arith.constant 0 : i32
    %dma_wait3A_308 = tpu.memref_slice %arg6[%dma_wait3A_299, %dma_wait3A_306, %dma_wait3A_307] : memref<4x16x128xf32, #tpu.memory_space<vmem>> -> memref<1x16x128xf32, #tpu.memory_space<vmem>>
    %dma_wait3A_309 = tpu.memref_squeeze %dma_wait3A_308 : memref<1x16x128xf32, #tpu.memory_space<vmem>> -> memref<16x128xf32, #tpu.memory_space<vmem>>
    %dma_wait3A_310 = arith.constant 0 : i32
    %dma_wait3A_311 = tpu.memref_slice %arg3[%dma_wait3A_310, %mul3A_175] : memref<16x100000xf32, #tpu.memory_space<hbm>> -> memref<16x128xf32, #tpu.memory_space<hbm>>
    tpu.wait_dma2 semaphore(%arg8 : memref<!tpu.dma_semaphore, #tpu.memory_space<semaphore_mem>>) src(%dma_wait3A_311 : memref<16x128xf32, #tpu.memory_space<hbm>>) dst(%dma_wait3A_309 : memref<16x128xf32, #tpu.memory_space<vmem>>)
    %and3A_312 = arith.constant 127 : i32
    %and3A_313 = arith.andi %reduce_sum3A_171, %and3A_312 : i32
    %broadcast_in_dim3A_314 = vector.broadcast %and3A_313 : i32 to vector<16xi32>
    %gather3A_315 = arith.constant 0 : i32
    %gather3A_316 = arith.constant 0 : i32
    %gather3A_317 = arith.constant 0 : i32
    %gather3A_318 = tpu.memref_slice %arg6[%gather3A_315, %gather3A_316, %gather3A_317] : memref<4x16x128xf32, #tpu.memory_space<vmem>> -> memref<1x16x128xf32, #tpu.memory_space<vmem>>
    %gather3A_319 = tpu.memref_squeeze %gather3A_318 : memref<1x16x128xf32, #tpu.memory_space<vmem>> -> memref<16x128xf32, #tpu.memory_space<vmem>>
    %gather3A_320 = tpu.vector_load_idx %gather3A_319[%iota3A, %broadcast_in_dim3A_314] : memref<16x128xf32, #tpu.memory_space<vmem>>[vector<16xi32>, vector<16xi32>], vector<16xf32>,
    %swap3A_321 = arith.constant 4 : i32
    %swap3A_322 = arith.index_cast %swap3A_321 : i32 to index
    %swap3A_323 = arith.constant 0 : index
    %swap3A_324 = tpu.vector_load %arg7[%swap3A_322, %swap3A_323] {strides = array<i32>} : memref<24x16xf32, #tpu.memory_space<vmem>>, vector<16xf32>,
    tpu.vector_store %arg7[%swap3A_322, %swap3A_323], %gather3A_320 {strides = array<i32>} : memref<24x16xf32, #tpu.memory_space<vmem>>, vector<16xf32>,
    %get3A_325 = arith.constant 0 : index
    %get3A_326 = tpu.vector_load %arg5[%get3A_325] {strides = array<i32>} : memref<32xi32, #tpu.memory_space<vmem>>, vector<16xi32>,
    %eq3A_327 = arith.constant 7 : i32
    %eq3A_328 = vector.broadcast %eq3A_327 : i32 to vector<16xi32>
    %eq3A_329 = arith.cmpi eq, %iota3A_3, %eq3A_328 : vector<16xi32>
    %jit3A_330 = arith.constant 0 : i32
    %broadcast_in_dim3A_331 = vector.broadcast %jit3A_330 : i32 to vector<16xi32>
    %select_n3A_332 = arith.select %eq3A_329, %get3A_326, %broadcast_in_dim3A_331 : vector<16xi1>, vector<16xi32>
    %reduce_sum3A_333 = arith.constant true
    %reduce_sum3A_334 = vector.broadcast %reduce_sum3A_333 : i1 to vector<16xi1>
    %reduce_sum3A_335 = tpu.scan <sum>, %select_n3A_332 masked %reduce_sum3A_334 : vector<16xi32>, vector<16xi1> -> vector<16xi32>
    %reduce_sum3A_336 = vector.extract %reduce_sum3A_335[15] : i32 from vector<16xi32>
    %shift_right_arithmetic3A_337 = arith.constant 7 : i32
    %shift_right_arithmetic3A_338 = arith.shrsi %reduce_sum3A_336, %shift_right_arithmetic3A_337 : i32
    %mul3A_339 = arith.constant 128 : i32
    %mul3A_340 = arith.muli %shift_right_arithmetic3A_338, %mul3A_339 : i32
    %dma_start3A_341 = arith.constant 3 : i32
    %dma_start3A_342 = arith.constant 0 : i32
    %dma_start3A_343 = arith.constant 0 : i32
    %dma_start3A_344 = tpu.memref_slice %arg6[%dma_start3A_341, %dma_start3A_342, %dma_start3A_343] : memref<4x16x128xf32, #tpu.memory_space<vmem>> -> memref<1x16x128xf32, #tpu.memory_space<vmem>>
    %dma_start3A_345 = tpu.memref_squeeze %dma_start3A_344 : memref<1x16x128xf32, #tpu.memory_space<vmem>> -> memref<16x128xf32, #tpu.memory_space<vmem>>
    %dma_start3A_346 = arith.constant 0 : i32
    %dma_start3A_347 = tpu.memref_slice %arg3[%dma_start3A_346, %mul3A_340] : memref<16x100000xf32, #tpu.memory_space<hbm>> -> memref<16x128xf32, #tpu.memory_space<hbm>>
    %dma_start3A_348 = arith.constant 0 : i32
    %dma_start3A_349 = arith.constant 0 : i32
    %dma_start3A_350 = tpu.memref_slice %arg6[%dma_start3A_341, %dma_start3A_348, %dma_start3A_349] : memref<4x16x128xf32, #tpu.memory_space<vmem>> -> memref<1x16x128xf32, #tpu.memory_space<vmem>>
    %dma_start3A_351 = tpu.memref_squeeze %dma_start3A_350 : memref<1x16x128xf32, #tpu.memory_space<vmem>> -> memref<16x128xf32, #tpu.memory_space<vmem>>
    %dma_start3A_352 = arith.constant 0 : i32
    %dma_start3A_353 = tpu.memref_slice %arg3[%dma_start3A_352, %mul3A_340] : memref<16x100000xf32, #tpu.memory_space<hbm>> -> memref<16x128xf32, #tpu.memory_space<hbm>>
    tpu.enqueue_dma source(%dma_start3A_353 : memref<16x128xf32, #tpu.memory_space<hbm>>) target(%dma_start3A_351 : memref<16x128xf32, #tpu.memory_space<vmem>>) target_semaphore(%arg11 : memref<!tpu.dma_semaphore, #tpu.memory_space<semaphore_mem>>)
    %dma_wait3A_354 = arith.constant 1 : i32
    %dma_wait3A_355 = arith.constant 0 : i32
    %dma_wait3A_356 = arith.constant 0 : i32
    %dma_wait3A_357 = tpu.memref_slice %arg6[%dma_wait3A_354, %dma_wait3A_355, %dma_wait3A_356] : memref<4x16x128xf32, #tpu.memory_space<vmem>> -> memref<1x16x128xf32, #tpu.memory_space<vmem>>
    %dma_wait3A_358 = tpu.memref_squeeze %dma_wait3A_357 : memref<1x16x128xf32, #tpu.memory_space<vmem>> -> memref<16x128xf32, #tpu.memory_space<vmem>>
    %dma_wait3A_359 = arith.constant 0 : i32
    %dma_wait3A_360 = tpu.memref_slice %arg3[%dma_wait3A_359, %mul3A_230] : memref<16x100000xf32, #tpu.memory_space<hbm>> -> memref<16x128xf32, #tpu.memory_space<hbm>>
    %dma_wait3A_361 = arith.constant 0 : i32
    %dma_wait3A_362 = arith.constant 0 : i32
    %dma_wait3A_363 = tpu.memref_slice %arg6[%dma_wait3A_354, %dma_wait3A_361, %dma_wait3A_362] : memref<4x16x128xf32, #tpu.memory_space<vmem>> -> memref<1x16x128xf32, #tpu.memory_space<vmem>>
    %dma_wait3A_364 = tpu.memref_squeeze %dma_wait3A_363 : memref<1x16x128xf32, #tpu.memory_space<vmem>> -> memref<16x128xf32, #tpu.memory_space<vmem>>
    %dma_wait3A_365 = arith.constant 0 : i32
    %dma_wait3A_366 = tpu.memref_slice %arg3[%dma_wait3A_365, %mul3A_230] : memref<16x100000xf32, #tpu.memory_space<hbm>> -> memref<16x128xf32, #tpu.memory_space<hbm>>
    tpu.wait_dma2 semaphore(%arg9 : memref<!tpu.dma_semaphore, #tpu.memory_space<semaphore_mem>>) src(%dma_wait3A_366 : memref<16x128xf32, #tpu.memory_space<hbm>>) dst(%dma_wait3A_364 : memref<16x128xf32, #tpu.memory_space<vmem>>)
    %and3A_367 = arith.constant 127 : i32
    %and3A_368 = arith.andi %reduce_sum3A_226, %and3A_367 : i32
    %broadcast_in_dim3A_369 = vector.broadcast %and3A_368 : i32 to vector<16xi32>
    %gather3A_370 = arith.constant 1 : i32
    %gather3A_371 = arith.constant 0 : i32
    %gather3A_372 = arith.constant 0 : i32
    %gather3A_373 = tpu.memref_slice %arg6[%gather3A_370, %gather3A_371, %gather3A_372] : memref<4x16x128xf32, #tpu.memory_space<vmem>> -> memref<1x16x128xf32, #tpu.memory_space<vmem>>
    %gather3A_374 = tpu.memref_squeeze %gather3A_373 : memref<1x16x128xf32, #tpu.memory_space<vmem>> -> memref<16x128xf32, #tpu.memory_space<vmem>>
    %gather3A_375 = tpu.vector_load_idx %gather3A_374[%iota3A, %broadcast_in_dim3A_369] : memref<16x128xf32, #tpu.memory_space<vmem>>[vector<16xi32>, vector<16xi32>], vector<16xf32>,
    %swap3A_376 = arith.constant 5 : i32
    %swap3A_377 = arith.index_cast %swap3A_376 : i32 to index
    %swap3A_378 = arith.constant 0 : index
    %swap3A_379 = tpu.vector_load %arg7[%swap3A_377, %swap3A_378] {strides = array<i32>} : memref<24x16xf32, #tpu.memory_space<vmem>>, vector<16xf32>,
    tpu.vector_store %arg7[%swap3A_377, %swap3A_378], %gather3A_375 {strides = array<i32>} : memref<24x16xf32, #tpu.memory_space<vmem>>, vector<16xf32>,
    %get3A_380 = arith.constant 0 : index
    %get3A_381 = tpu.vector_load %arg5[%get3A_380] {strides = array<i32>} : memref<32xi32, #tpu.memory_space<vmem>>, vector<16xi32>,
    %eq3A_382 = arith.constant 8 : i32
    %eq3A_383 = vector.broadcast %eq3A_382 : i32 to vector<16xi32>
    %eq3A_384 = arith.cmpi eq, %iota3A_3, %eq3A_383 : vector<16xi32>
    %jit3A_385 = arith.constant 0 : i32
    %broadcast_in_dim3A_386 = vector.broadcast %jit3A_385 : i32 to vector<16xi32>
    %select_n3A_387 = arith.select %eq3A_384, %get3A_381, %broadcast_in_dim3A_386 : vector<16xi1>, vector<16xi32>
    %reduce_sum3A_388 = arith.constant true
    %reduce_sum3A_389 = vector.broadcast %reduce_sum3A_388 : i1 to vector<16xi1>
    %reduce_sum3A_390 = tpu.scan <sum>, %select_n3A_387 masked %reduce_sum3A_389 : vector<16xi32>, vector<16xi1> -> vector<16xi32>
    %reduce_sum3A_391 = vector.extract %reduce_sum3A_390[15] : i32 from vector<16xi32>
    %shift_right_arithmetic3A_392 = arith.constant 7 : i32
    %shift_right_arithmetic3A_393 = arith.shrsi %reduce_sum3A_391, %shift_right_arithmetic3A_392 : i32
    %mul3A_394 = arith.constant 128 : i32
    %mul3A_395 = arith.muli %shift_right_arithmetic3A_393, %mul3A_394 : i32
    %dma_start3A_396 = arith.constant 0 : i32
    %dma_start3A_397 = arith.constant 0 : i32
    %dma_start3A_398 = arith.constant 0 : i32
    %dma_start3A_399 = tpu.memref_slice %arg6[%dma_start3A_396, %dma_start3A_397, %dma_start3A_398] : memref<4x16x128xf32, #tpu.memory_space<vmem>> -> memref<1x16x128xf32, #tpu.memory_space<vmem>>
    %dma_start3A_400 = tpu.memref_squeeze %dma_start3A_399 : memref<1x16x128xf32, #tpu.memory_space<vmem>> -> memref<16x128xf32, #tpu.memory_space<vmem>>
    %dma_start3A_401 = arith.constant 0 : i32
    %dma_start3A_402 = tpu.memref_slice %arg3[%dma_start3A_401, %mul3A_395] : memref<16x100000xf32, #tpu.memory_space<hbm>> -> memref<16x128xf32, #tpu.memory_space<hbm>>
    %dma_start3A_403 = arith.constant 0 : i32
    %dma_start3A_404 = arith.constant 0 : i32
    %dma_start3A_405 = tpu.memref_slice %arg6[%dma_start3A_396, %dma_start3A_403, %dma_start3A_404] : memref<4x16x128xf32, #tpu.memory_space<vmem>> -> memref<1x16x128xf32, #tpu.memory_space<vmem>>
    %dma_start3A_406 = tpu.memref_squeeze %dma_start3A_405 : memref<1x16x128xf32, #tpu.memory_space<vmem>> -> memref<16x128xf32, #tpu.memory_space<vmem>>
    %dma_start3A_407 = arith.constant 0 : i32
    %dma_start3A_408 = tpu.memref_slice %arg3[%dma_start3A_407, %mul3A_395] : memref<16x100000xf32, #tpu.memory_space<hbm>> -> memref<16x128xf32, #tpu.memory_space<hbm>>
    tpu.enqueue_dma source(%dma_start3A_408 : memref<16x128xf32, #tpu.memory_space<hbm>>) target(%dma_start3A_406 : memref<16x128xf32, #tpu.memory_space<vmem>>) target_semaphore(%arg8 : memref<!tpu.dma_semaphore, #tpu.memory_space<semaphore_mem>>)
    %dma_wait3A_409 = arith.constant 2 : i32
    %dma_wait3A_410 = arith.constant 0 : i32
    %dma_wait3A_411 = arith.constant 0 : i32
    %dma_wait3A_412 = tpu.memref_slice %arg6[%dma_wait3A_409, %dma_wait3A_410, %dma_wait3A_411] : memref<4x16x128xf32, #tpu.memory_space<vmem>> -> memref<1x16x128xf32, #tpu.memory_space<vmem>>
    %dma_wait3A_413 = tpu.memref_squeeze %dma_wait3A_412 : memref<1x16x128xf32, #tpu.memory_space<vmem>> -> memref<16x128xf32, #tpu.memory_space<vmem>>
    %dma_wait3A_414 = arith.constant 0 : i32
    %dma_wait3A_415 = tpu.memref_slice %arg3[%dma_wait3A_414, %mul3A_285] : memref<16x100000xf32, #tpu.memory_space<hbm>> -> memref<16x128xf32, #tpu.memory_space<hbm>>
    %dma_wait3A_416 = arith.constant 0 : i32
    %dma_wait3A_417 = arith.constant 0 : i32
    %dma_wait3A_418 = tpu.memref_slice %arg6[%dma_wait3A_409, %dma_wait3A_416, %dma_wait3A_417] : memref<4x16x128xf32, #tpu.memory_space<vmem>> -> memref<1x16x128xf32, #tpu.memory_space<vmem>>
    %dma_wait3A_419 = tpu.memref_squeeze %dma_wait3A_418 : memref<1x16x128xf32, #tpu.memory_space<vmem>> -> memref<16x128xf32, #tpu.memory_space<vmem>>
    %dma_wait3A_420 = arith.constant 0 : i32
    %dma_wait3A_421 = tpu.memref_slice %arg3[%dma_wait3A_420, %mul3A_285] : memref<16x100000xf32, #tpu.memory_space<hbm>> -> memref<16x128xf32, #tpu.memory_space<hbm>>
    tpu.wait_dma2 semaphore(%arg10 : memref<!tpu.dma_semaphore, #tpu.memory_space<semaphore_mem>>) src(%dma_wait3A_421 : memref<16x128xf32, #tpu.memory_space<hbm>>) dst(%dma_wait3A_419 : memref<16x128xf32, #tpu.memory_space<vmem>>)
    %and3A_422 = arith.constant 127 : i32
    %and3A_423 = arith.andi %reduce_sum3A_281, %and3A_422 : i32
    %broadcast_in_dim3A_424 = vector.broadcast %and3A_423 : i32 to vector<16xi32>
    %gather3A_425 = arith.constant 2 : i32
    %gather3A_426 = arith.constant 0 : i32
    %gather3A_427 = arith.constant 0 : i32
    %gather3A_428 = tpu.memref_slice %arg6[%gather3A_425, %gather3A_426, %gather3A_427] : memref<4x16x128xf32, #tpu.memory_space<vmem>> -> memref<1x16x128xf32, #tpu.memory_space<vmem>>
    %gather3A_429 = tpu.memref_squeeze %gather3A_428 : memref<1x16x128xf32, #tpu.memory_space<vmem>> -> memref<16x128xf32, #tpu.memory_space<vmem>>
    %gather3A_430 = tpu.vector_load_idx %gather3A_429[%iota3A, %broadcast_in_dim3A_424] : memref<16x128xf32, #tpu.memory_space<vmem>>[vector<16xi32>, vector<16xi32>], vector<16xf32>,
    %swap3A_431 = arith.constant 6 : i32
    %swap3A_432 = arith.index_cast %swap3A_431 : i32 to index
    %swap3A_433 = arith.constant 0 : index
    %swap3A_434 = tpu.vector_load %arg7[%swap3A_432, %swap3A_433] {strides = array<i32>} : memref<24x16xf32, #tpu.memory_space<vmem>>, vector<16xf32>,
    tpu.vector_store %arg7[%swap3A_432, %swap3A_433], %gather3A_430 {strides = array<i32>} : memref<24x16xf32, #tpu.memory_space<vmem>>, vector<16xf32>,
    %get3A_435 = arith.constant 0 : index
    %get3A_436 = tpu.vector_load %arg5[%get3A_435] {strides = array<i32>} : memref<32xi32, #tpu.memory_space<vmem>>, vector<16xi32>,
    %eq3A_437 = arith.constant 9 : i32
    %eq3A_438 = vector.broadcast %eq3A_437 : i32 to vector<16xi32>
    %eq3A_439 = arith.cmpi eq, %iota3A_3, %eq3A_438 : vector<16xi32>
    %jit3A_440 = arith.constant 0 : i32
    %broadcast_in_dim3A_441 = vector.broadcast %jit3A_440 : i32 to vector<16xi32>
    %select_n3A_442 = arith.select %eq3A_439, %get3A_436, %broadcast_in_dim3A_441 : vector<16xi1>, vector<16xi32>
    %reduce_sum3A_443 = arith.constant true
    %reduce_sum3A_444 = vector.broadcast %reduce_sum3A_443 : i1 to vector<16xi1>
    %reduce_sum3A_445 = tpu.scan <sum>, %select_n3A_442 masked %reduce_sum3A_444 : vector<16xi32>, vector<16xi1> -> vector<16xi32>
    %reduce_sum3A_446 = vector.extract %reduce_sum3A_445[15] : i32 from vector<16xi32>
    %shift_right_arithmetic3A_447 = arith.constant 7 : i32
    %shift_right_arithmetic3A_448 = arith.shrsi %reduce_sum3A_446, %shift_right_arithmetic3A_447 : i32
    %mul3A_449 = arith.constant 128 : i32
    %mul3A_450 = arith.muli %shift_right_arithmetic3A_448, %mul3A_449 : i32
    %dma_start3A_451 = arith.constant 1 : i32
    %dma_start3A_452 = arith.constant 0 : i32
    %dma_start3A_453 = arith.constant 0 : i32
    %dma_start3A_454 = tpu.memref_slice %arg6[%dma_start3A_451, %dma_start3A_452, %dma_start3A_453] : memref<4x16x128xf32, #tpu.memory_space<vmem>> -> memref<1x16x128xf32, #tpu.memory_space<vmem>>
    %dma_start3A_455 = tpu.memref_squeeze %dma_start3A_454 : memref<1x16x128xf32, #tpu.memory_space<vmem>> -> memref<16x128xf32, #tpu.memory_space<vmem>>
    %dma_start3A_456 = arith.constant 0 : i32
    %dma_start3A_457 = tpu.memref_slice %arg3[%dma_start3A_456, %mul3A_450] : memref<16x100000xf32, #tpu.memory_space<hbm>> -> memref<16x128xf32, #tpu.memory_space<hbm>>
    %dma_start3A_458 = arith.constant 0 : i32
    %dma_start3A_459 = arith.constant 0 : i32
    %dma_start3A_460 = tpu.memref_slice %arg6[%dma_start3A_451, %dma_start3A_458, %dma_start3A_459] : memref<4x16x128xf32, #tpu.memory_space<vmem>> -> memref<1x16x128xf32, #tpu.memory_space<vmem>>
    %dma_start3A_461 = tpu.memref_squeeze %dma_start3A_460 : memref<1x16x128xf32, #tpu.memory_space<vmem>> -> memref<16x128xf32, #tpu.memory_space<vmem>>
    %dma_start3A_462 = arith.constant 0 : i32
    %dma_start3A_463 = tpu.memref_slice %arg3[%dma_start3A_462, %mul3A_450] : memref<16x100000xf32, #tpu.memory_space<hbm>> -> memref<16x128xf32, #tpu.memory_space<hbm>>
    tpu.enqueue_dma source(%dma_start3A_463 : memref<16x128xf32, #tpu.memory_space<hbm>>) target(%dma_start3A_461 : memref<16x128xf32, #tpu.memory_space<vmem>>) target_semaphore(%arg9 : memref<!tpu.dma_semaphore, #tpu.memory_space<semaphore_mem>>)
    %dma_wait3A_464 = arith.constant 3 : i32
    %dma_wait3A_465 = arith.constant 0 : i32
    %dma_wait3A_466 = arith.constant 0 : i32
    %dma_wait3A_467 = tpu.memref_slice %arg6[%dma_wait3A_464, %dma_wait3A_465, %dma_wait3A_466] : memref<4x16x128xf32, #tpu.memory_space<vmem>> -> memref<1x16x128xf32, #tpu.memory_space<vmem>>
    %dma_wait3A_468 = tpu.memref_squeeze %dma_wait3A_467 : memref<1x16x128xf32, #tpu.memory_space<vmem>> -> memref<16x128xf32, #tpu.memory_space<vmem>>
    %dma_wait3A_469 = arith.constant 0 : i32
    %dma_wait3A_470 = tpu.memref_slice %arg3[%dma_wait3A_469, %mul3A_340] : memref<16x100000xf32, #tpu.memory_space<hbm>> -> memref<16x128xf32, #tpu.memory_space<hbm>>
    %dma_wait3A_471 = arith.constant 0 : i32
    %dma_wait3A_472 = arith.constant 0 : i32
    %dma_wait3A_473 = tpu.memref_slice %arg6[%dma_wait3A_464, %dma_wait3A_471, %dma_wait3A_472] : memref<4x16x128xf32, #tpu.memory_space<vmem>> -> memref<1x16x128xf32, #tpu.memory_space<vmem>>
    %dma_wait3A_474 = tpu.memref_squeeze %dma_wait3A_473 : memref<1x16x128xf32, #tpu.memory_space<vmem>> -> memref<16x128xf32, #tpu.memory_space<vmem>>
    %dma_wait3A_475 = arith.constant 0 : i32
    %dma_wait3A_476 = tpu.memref_slice %arg3[%dma_wait3A_475, %mul3A_340] : memref<16x100000xf32, #tpu.memory_space<hbm>> -> memref<16x128xf32, #tpu.memory_space<hbm>>
    tpu.wait_dma2 semaphore(%arg11 : memref<!tpu.dma_semaphore, #tpu.memory_space<semaphore_mem>>) src(%dma_wait3A_476 : memref<16x128xf32, #tpu.memory_space<hbm>>) dst(%dma_wait3A_474 : memref<16x128xf32, #tpu.memory_space<vmem>>)
    %and3A_477 = arith.constant 127 : i32
    %and3A_478 = arith.andi %reduce_sum3A_336, %and3A_477 : i32
    %broadcast_in_dim3A_479 = vector.broadcast %and3A_478 : i32 to vector<16xi32>
    %gather3A_480 = arith.constant 3 : i32
    %gather3A_481 = arith.constant 0 : i32
    %gather3A_482 = arith.constant 0 : i32
    %gather3A_483 = tpu.memref_slice %arg6[%gather3A_480, %gather3A_481, %gather3A_482] : memref<4x16x128xf32, #tpu.memory_space<vmem>> -> memref<1x16x128xf32, #tpu.memory_space<vmem>>
    %gather3A_484 = tpu.memref_squeeze %gather3A_483 : memref<1x16x128xf32, #tpu.memory_space<vmem>> -> memref<16x128xf32, #tpu.memory_space<vmem>>
    %gather3A_485 = tpu.vector_load_idx %gather3A_484[%iota3A, %broadcast_in_dim3A_479] : memref<16x128xf32, #tpu.memory_space<vmem>>[vector<16xi32>, vector<16xi32>], vector<16xf32>,
    %swap3A_486 = arith.constant 7 : i32
    %swap3A_487 = arith.index_cast %swap3A_486 : i32 to index
    %swap3A_488 = arith.constant 0 : index
    %swap3A_489 = tpu.vector_load %arg7[%swap3A_487, %swap3A_488] {strides = array<i32>} : memref<24x16xf32, #tpu.memory_space<vmem>>, vector<16xf32>,
    tpu.vector_store %arg7[%swap3A_487, %swap3A_488], %gather3A_485 {strides = array<i32>} : memref<24x16xf32, #tpu.memory_space<vmem>>, vector<16xf32>,
    %get3A_490 = arith.constant 0 : index
    %get3A_491 = tpu.vector_load %arg5[%get3A_490] {strides = array<i32>} : memref<32xi32, #tpu.memory_space<vmem>>, vector<16xi32>,
    %eq3A_492 = arith.constant 10 : i32
    %eq3A_493 = vector.broadcast %eq3A_492 : i32 to vector<16xi32>
    %eq3A_494 = arith.cmpi eq, %iota3A_3, %eq3A_493 : vector<16xi32>
    %jit3A_495 = arith.constant 0 : i32
    %broadcast_in_dim3A_496 = vector.broadcast %jit3A_495 : i32 to vector<16xi32>
    %select_n3A_497 = arith.select %eq3A_494, %get3A_491, %broadcast_in_dim3A_496 : vector<16xi1>, vector<16xi32>
    %reduce_sum3A_498 = arith.constant true
    %reduce_sum3A_499 = vector.broadcast %reduce_sum3A_498 : i1 to vector<16xi1>
    %reduce_sum3A_500 = tpu.scan <sum>, %select_n3A_497 masked %reduce_sum3A_499 : vector<16xi32>, vector<16xi1> -> vector<16xi32>
    %reduce_sum3A_501 = vector.extract %reduce_sum3A_500[15] : i32 from vector<16xi32>
    %shift_right_arithmetic3A_502 = arith.constant 7 : i32
    %shift_right_arithmetic3A_503 = arith.shrsi %reduce_sum3A_501, %shift_right_arithmetic3A_502 : i32
    %mul3A_504 = arith.constant 128 : i32
    %mul3A_505 = arith.muli %shift_right_arithmetic3A_503, %mul3A_504 : i32
    %dma_start3A_506 = arith.constant 2 : i32
    %dma_start3A_507 = arith.constant 0 : i32
    %dma_start3A_508 = arith.constant 0 : i32
    %dma_start3A_509 = tpu.memref_slice %arg6[%dma_start3A_506, %dma_start3A_507, %dma_start3A_508] : memref<4x16x128xf32, #tpu.memory_space<vmem>> -> memref<1x16x128xf32, #tpu.memory_space<vmem>>
    %dma_start3A_510 = tpu.memref_squeeze %dma_start3A_509 : memref<1x16x128xf32, #tpu.memory_space<vmem>> -> memref<16x128xf32, #tpu.memory_space<vmem>>
    %dma_start3A_511 = arith.constant 0 : i32
    %dma_start3A_512 = tpu.memref_slice %arg3[%dma_start3A_511, %mul3A_505] : memref<16x100000xf32, #tpu.memory_space<hbm>> -> memref<16x128xf32, #tpu.memory_space<hbm>>
    %dma_start3A_513 = arith.constant 0 : i32
    %dma_start3A_514 = arith.constant 0 : i32
    %dma_start3A_515 = tpu.memref_slice %arg6[%dma_start3A_506, %dma_start3A_513, %dma_start3A_514] : memref<4x16x128xf32, #tpu.memory_space<vmem>> -> memref<1x16x128xf32, #tpu.memory_space<vmem>>
    %dma_start3A_516 = tpu.memref_squeeze %dma_start3A_515 : memref<1x16x128xf32, #tpu.memory_space<vmem>> -> memref<16x128xf32, #tpu.memory_space<vmem>>
    %dma_start3A_517 = arith.constant 0 : i32
    %dma_start3A_518 = tpu.memref_slice %arg3[%dma_start3A_517, %mul3A_505] : memref<16x100000xf32, #tpu.memory_space<hbm>> -> memref<16x128xf32, #tpu.memory_space<hbm>>
    tpu.enqueue_dma source(%dma_start3A_518 : memref<16x128xf32, #tpu.memory_space<hbm>>) target(%dma_start3A_516 : memref<16x128xf32, #tpu.memory_space<vmem>>) target_semaphore(%arg10 : memref<!tpu.dma_semaphore, #tpu.memory_space<semaphore_mem>>)
    %dma_wait3A_519 = arith.constant 0 : i32
    %dma_wait3A_520 = arith.constant 0 : i32
    %dma_wait3A_521 = arith.constant 0 : i32
    %dma_wait3A_522 = tpu.memref_slice %arg6[%dma_wait3A_519, %dma_wait3A_520, %dma_wait3A_521] : memref<4x16x128xf32, #tpu.memory_space<vmem>> -> memref<1x16x128xf32, #tpu.memory_space<vmem>>
    %dma_wait3A_523 = tpu.memref_squeeze %dma_wait3A_522 : memref<1x16x128xf32, #tpu.memory_space<vmem>> -> memref<16x128xf32, #tpu.memory_space<vmem>>
    %dma_wait3A_524 = arith.constant 0 : i32
    %dma_wait3A_525 = tpu.memref_slice %arg3[%dma_wait3A_524, %mul3A_395] : memref<16x100000xf32, #tpu.memory_space<hbm>> -> memref<16x128xf32, #tpu.memory_space<hbm>>
    %dma_wait3A_526 = arith.constant 0 : i32
    %dma_wait3A_527 = arith.constant 0 : i32
    %dma_wait3A_528 = tpu.memref_slice %arg6[%dma_wait3A_519, %dma_wait3A_526, %dma_wait3A_527] : memref<4x16x128xf32, #tpu.memory_space<vmem>> -> memref<1x16x128xf32, #tpu.memory_space<vmem>>
    %dma_wait3A_529 = tpu.memref_squeeze %dma_wait3A_528 : memref<1x16x128xf32, #tpu.memory_space<vmem>> -> memref<16x128xf32, #tpu.memory_space<vmem>>
    %dma_wait3A_530 = arith.constant 0 : i32
    %dma_wait3A_531 = tpu.memref_slice %arg3[%dma_wait3A_530, %mul3A_395] : memref<16x100000xf32, #tpu.memory_space<hbm>> -> memref<16x128xf32, #tpu.memory_space<hbm>>
    tpu.wait_dma2 semaphore(%arg8 : memref<!tpu.dma_semaphore, #tpu.memory_space<semaphore_mem>>) src(%dma_wait3A_531 : memref<16x128xf32, #tpu.memory_space<hbm>>) dst(%dma_wait3A_529 : memref<16x128xf32, #tpu.memory_space<vmem>>)
    %and3A_532 = arith.constant 127 : i32
    %and3A_533 = arith.andi %reduce_sum3A_391, %and3A_532 : i32
    %broadcast_in_dim3A_534 = vector.broadcast %and3A_533 : i32 to vector<16xi32>
    %gather3A_535 = arith.constant 0 : i32
    %gather3A_536 = arith.constant 0 : i32
    %gather3A_537 = arith.constant 0 : i32
    %gather3A_538 = tpu.memref_slice %arg6[%gather3A_535, %gather3A_536, %gather3A_537] : memref<4x16x128xf32, #tpu.memory_space<vmem>> -> memref<1x16x128xf32, #tpu.memory_space<vmem>>
    %gather3A_539 = tpu.memref_squeeze %gather3A_538 : memref<1x16x128xf32, #tpu.memory_space<vmem>> -> memref<16x128xf32, #tpu.memory_space<vmem>>
    %gather3A_540 = tpu.vector_load_idx %gather3A_539[%iota3A, %broadcast_in_dim3A_534] : memref<16x128xf32, #tpu.memory_space<vmem>>[vector<16xi32>, vector<16xi32>], vector<16xf32>,
    %swap3A_541 = arith.constant 8 : i32
    %swap3A_542 = arith.index_cast %swap3A_541 : i32 to index
    %swap3A_543 = arith.constant 0 : index
    %swap3A_544 = tpu.vector_load %arg7[%swap3A_542, %swap3A_543] {strides = array<i32>} : memref<24x16xf32, #tpu.memory_space<vmem>>, vector<16xf32>,
    tpu.vector_store %arg7[%swap3A_542, %swap3A_543], %gather3A_540 {strides = array<i32>} : memref<24x16xf32, #tpu.memory_space<vmem>>, vector<16xf32>,
    %get3A_545 = arith.constant 0 : index
    %get3A_546 = tpu.vector_load %arg5[%get3A_545] {strides = array<i32>} : memref<32xi32, #tpu.memory_space<vmem>>, vector<16xi32>,
    %eq3A_547 = arith.constant 11 : i32
    %eq3A_548 = vector.broadcast %eq3A_547 : i32 to vector<16xi32>
    %eq3A_549 = arith.cmpi eq, %iota3A_3, %eq3A_548 : vector<16xi32>
    %jit3A_550 = arith.constant 0 : i32
    %broadcast_in_dim3A_551 = vector.broadcast %jit3A_550 : i32 to vector<16xi32>
    %select_n3A_552 = arith.select %eq3A_549, %get3A_546, %broadcast_in_dim3A_551 : vector<16xi1>, vector<16xi32>
    %reduce_sum3A_553 = arith.constant true
    %reduce_sum3A_554 = vector.broadcast %reduce_sum3A_553 : i1 to vector<16xi1>
    %reduce_sum3A_555 = tpu.scan <sum>, %select_n3A_552 masked %reduce_sum3A_554 : vector<16xi32>, vector<16xi1> -> vector<16xi32>
    %reduce_sum3A_556 = vector.extract %reduce_sum3A_555[15] : i32 from vector<16xi32>
    %shift_right_arithmetic3A_557 = arith.constant 7 : i32
    %shift_right_arithmetic3A_558 = arith.shrsi %reduce_sum3A_556, %shift_right_arithmetic3A_557 : i32
    %mul3A_559 = arith.constant 128 : i32
    %mul3A_560 = arith.muli %shift_right_arithmetic3A_558, %mul3A_559 : i32
    %dma_start3A_561 = arith.constant 3 : i32
    %dma_start3A_562 = arith.constant 0 : i32
    %dma_start3A_563 = arith.constant 0 : i32
    %dma_start3A_564 = tpu.memref_slice %arg6[%dma_start3A_561, %dma_start3A_562, %dma_start3A_563] : memref<4x16x128xf32, #tpu.memory_space<vmem>> -> memref<1x16x128xf32, #tpu.memory_space<vmem>>
    %dma_start3A_565 = tpu.memref_squeeze %dma_start3A_564 : memref<1x16x128xf32, #tpu.memory_space<vmem>> -> memref<16x128xf32, #tpu.memory_space<vmem>>
    %dma_start3A_566 = arith.constant 0 : i32
    %dma_start3A_567 = tpu.memref_slice %arg3[%dma_start3A_566, %mul3A_560] : memref<16x100000xf32, #tpu.memory_space<hbm>> -> memref<16x128xf32, #tpu.memory_space<hbm>>
    %dma_start3A_568 = arith.constant 0 : i32
    %dma_start3A_569 = arith.constant 0 : i32
    %dma_start3A_570 = tpu.memref_slice %arg6[%dma_start3A_561, %dma_start3A_568, %dma_start3A_569] : memref<4x16x128xf32, #tpu.memory_space<vmem>> -> memref<1x16x128xf32, #tpu.memory_space<vmem>>
    %dma_start3A_571 = tpu.memref_squeeze %dma_start3A_570 : memref<1x16x128xf32, #tpu.memory_space<vmem>> -> memref<16x128xf32, #tpu.memory_space<vmem>>
    %dma_start3A_572 = arith.constant 0 : i32
    %dma_start3A_573 = tpu.memref_slice %arg3[%dma_start3A_572, %mul3A_560] : memref<16x100000xf32, #tpu.memory_space<hbm>> -> memref<16x128xf32, #tpu.memory_space<hbm>>
    tpu.enqueue_dma source(%dma_start3A_573 : memref<16x128xf32, #tpu.memory_space<hbm>>) target(%dma_start3A_571 : memref<16x128xf32, #tpu.memory_space<vmem>>) target_semaphore(%arg11 : memref<!tpu.dma_semaphore, #tpu.memory_space<semaphore_mem>>)
    %dma_wait3A_574 = arith.constant 1 : i32
    %dma_wait3A_575 = arith.constant 0 : i32
    %dma_wait3A_576 = arith.constant 0 : i32
    %dma_wait3A_577 = tpu.memref_slice %arg6[%dma_wait3A_574, %dma_wait3A_575, %dma_wait3A_576] : memref<4x16x128xf32, #tpu.memory_space<vmem>> -> memref<1x16x128xf32, #tpu.memory_space<vmem>>
    %dma_wait3A_578 = tpu.memref_squeeze %dma_wait3A_577 : memref<1x16x128xf32, #tpu.memory_space<vmem>> -> memref<16x128xf32, #tpu.memory_space<vmem>>
    %dma_wait3A_579 = arith.constant 0 : i32
    %dma_wait3A_580 = tpu.memref_slice %arg3[%dma_wait3A_579, %mul3A_450] : memref<16x100000xf32, #tpu.memory_space<hbm>> -> memref<16x128xf32, #tpu.memory_space<hbm>>
    %dma_wait3A_581 = arith.constant 0 : i32
    %dma_wait3A_582 = arith.constant 0 : i32
    %dma_wait3A_583 = tpu.memref_slice %arg6[%dma_wait3A_574, %dma_wait3A_581, %dma_wait3A_582] : memref<4x16x128xf32, #tpu.memory_space<vmem>> -> memref<1x16x128xf32, #tpu.memory_space<vmem>>
    %dma_wait3A_584 = tpu.memref_squeeze %dma_wait3A_583 : memref<1x16x128xf32, #tpu.memory_space<vmem>> -> memref<16x128xf32, #tpu.memory_space<vmem>>
    %dma_wait3A_585 = arith.constant 0 : i32
    %dma_wait3A_586 = tpu.memref_slice %arg3[%dma_wait3A_585, %mul3A_450] : memref<16x100000xf32, #tpu.memory_space<hbm>> -> memref<16x128xf32, #tpu.memory_space<hbm>>
    tpu.wait_dma2 semaphore(%arg9 : memref<!tpu.dma_semaphore, #tpu.memory_space<semaphore_mem>>) src(%dma_wait3A_586 : memref<16x128xf32, #tpu.memory_space<hbm>>) dst(%dma_wait3A_584 : memref<16x128xf32, #tpu.memory_space<vmem>>)
    %and3A_587 = arith.constant 127 : i32
    %and3A_588 = arith.andi %reduce_sum3A_446, %and3A_587 : i32
    %broadcast_in_dim3A_589 = vector.broadcast %and3A_588 : i32 to vector<16xi32>
    %gather3A_590 = arith.constant 1 : i32
    %gather3A_591 = arith.constant 0 : i32
    %gather3A_592 = arith.constant 0 : i32
    %gather3A_593 = tpu.memref_slice %arg6[%gather3A_590, %gather3A_591, %gather3A_592] : memref<4x16x128xf32, #tpu.memory_space<vmem>> -> memref<1x16x128xf32, #tpu.memory_space<vmem>>
    %gather3A_594 = tpu.memref_squeeze %gather3A_593 : memref<1x16x128xf32, #tpu.memory_space<vmem>> -> memref<16x128xf32, #tpu.memory_space<vmem>>
    %gather3A_595 = tpu.vector_load_idx %gather3A_594[%iota3A, %broadcast_in_dim3A_589] : memref<16x128xf32, #tpu.memory_space<vmem>>[vector<16xi32>, vector<16xi32>], vector<16xf32>,
    %swap3A_596 = arith.constant 9 : i32
    %swap3A_597 = arith.index_cast %swap3A_596 : i32 to index
    %swap3A_598 = arith.constant 0 : index
    %swap3A_599 = tpu.vector_load %arg7[%swap3A_597, %swap3A_598] {strides = array<i32>} : memref<24x16xf32, #tpu.memory_space<vmem>>, vector<16xf32>,
    tpu.vector_store %arg7[%swap3A_597, %swap3A_598], %gather3A_595 {strides = array<i32>} : memref<24x16xf32, #tpu.memory_space<vmem>>, vector<16xf32>,
    %get3A_600 = arith.constant 0 : index
    %get3A_601 = tpu.vector_load %arg5[%get3A_600] {strides = array<i32>} : memref<32xi32, #tpu.memory_space<vmem>>, vector<16xi32>,
    %eq3A_602 = arith.constant 12 : i32
    %eq3A_603 = vector.broadcast %eq3A_602 : i32 to vector<16xi32>
    %eq3A_604 = arith.cmpi eq, %iota3A_3, %eq3A_603 : vector<16xi32>
    %jit3A_605 = arith.constant 0 : i32
    %broadcast_in_dim3A_606 = vector.broadcast %jit3A_605 : i32 to vector<16xi32>
    %select_n3A_607 = arith.select %eq3A_604, %get3A_601, %broadcast_in_dim3A_606 : vector<16xi1>, vector<16xi32>
    %reduce_sum3A_608 = arith.constant true
    %reduce_sum3A_609 = vector.broadcast %reduce_sum3A_608 : i1 to vector<16xi1>
    %reduce_sum3A_610 = tpu.scan <sum>, %select_n3A_607 masked %reduce_sum3A_609 : vector<16xi32>, vector<16xi1> -> vector<16xi32>
    %reduce_sum3A_611 = vector.extract %reduce_sum3A_610[15] : i32 from vector<16xi32>
    %shift_right_arithmetic3A_612 = arith.constant 7 : i32
    %shift_right_arithmetic3A_613 = arith.shrsi %reduce_sum3A_611, %shift_right_arithmetic3A_612 : i32
    %mul3A_614 = arith.constant 128 : i32
    %mul3A_615 = arith.muli %shift_right_arithmetic3A_613, %mul3A_614 : i32
    %dma_start3A_616 = arith.constant 0 : i32
    %dma_start3A_617 = arith.constant 0 : i32
    %dma_start3A_618 = arith.constant 0 : i32
    %dma_start3A_619 = tpu.memref_slice %arg6[%dma_start3A_616, %dma_start3A_617, %dma_start3A_618] : memref<4x16x128xf32, #tpu.memory_space<vmem>> -> memref<1x16x128xf32, #tpu.memory_space<vmem>>
    %dma_start3A_620 = tpu.memref_squeeze %dma_start3A_619 : memref<1x16x128xf32, #tpu.memory_space<vmem>> -> memref<16x128xf32, #tpu.memory_space<vmem>>
    %dma_start3A_621 = arith.constant 0 : i32
    %dma_start3A_622 = tpu.memref_slice %arg3[%dma_start3A_621, %mul3A_615] : memref<16x100000xf32, #tpu.memory_space<hbm>> -> memref<16x128xf32, #tpu.memory_space<hbm>>
    %dma_start3A_623 = arith.constant 0 : i32
    %dma_start3A_624 = arith.constant 0 : i32
    %dma_start3A_625 = tpu.memref_slice %arg6[%dma_start3A_616, %dma_start3A_623, %dma_start3A_624] : memref<4x16x128xf32, #tpu.memory_space<vmem>> -> memref<1x16x128xf32, #tpu.memory_space<vmem>>
    %dma_start3A_626 = tpu.memref_squeeze %dma_start3A_625 : memref<1x16x128xf32, #tpu.memory_space<vmem>> -> memref<16x128xf32, #tpu.memory_space<vmem>>
    %dma_start3A_627 = arith.constant 0 : i32
    %dma_start3A_628 = tpu.memref_slice %arg3[%dma_start3A_627, %mul3A_615] : memref<16x100000xf32, #tpu.memory_space<hbm>> -> memref<16x128xf32, #tpu.memory_space<hbm>>
    tpu.enqueue_dma source(%dma_start3A_628 : memref<16x128xf32, #tpu.memory_space<hbm>>) target(%dma_start3A_626 : memref<16x128xf32, #tpu.memory_space<vmem>>) target_semaphore(%arg8 : memref<!tpu.dma_semaphore, #tpu.memory_space<semaphore_mem>>)
    %dma_wait3A_629 = arith.constant 2 : i32
    %dma_wait3A_630 = arith.constant 0 : i32
    %dma_wait3A_631 = arith.constant 0 : i32
    %dma_wait3A_632 = tpu.memref_slice %arg6[%dma_wait3A_629, %dma_wait3A_630, %dma_wait3A_631] : memref<4x16x128xf32, #tpu.memory_space<vmem>> -> memref<1x16x128xf32, #tpu.memory_space<vmem>>
    %dma_wait3A_633 = tpu.memref_squeeze %dma_wait3A_632 : memref<1x16x128xf32, #tpu.memory_space<vmem>> -> memref<16x128xf32, #tpu.memory_space<vmem>>
    %dma_wait3A_634 = arith.constant 0 : i32
    %dma_wait3A_635 = tpu.memref_slice %arg3[%dma_wait3A_634, %mul3A_505] : memref<16x100000xf32, #tpu.memory_space<hbm>> -> memref<16x128xf32, #tpu.memory_space<hbm>>
    %dma_wait3A_636 = arith.constant 0 : i32
    %dma_wait3A_637 = arith.constant 0 : i32
    %dma_wait3A_638 = tpu.memref_slice %arg6[%dma_wait3A_629, %dma_wait3A_636, %dma_wait3A_637] : memref<4x16x128xf32, #tpu.memory_space<vmem>> -> memref<1x16x128xf32, #tpu.memory_space<vmem>>
    %dma_wait3A_639 = tpu.memref_squeeze %dma_wait3A_638 : memref<1x16x128xf32, #tpu.memory_space<vmem>> -> memref<16x128xf32, #tpu.memory_space<vmem>>
    %dma_wait3A_640 = arith.constant 0 : i32
    %dma_wait3A_641 = tpu.memref_slice %arg3[%dma_wait3A_640, %mul3A_505] : memref<16x100000xf32, #tpu.memory_space<hbm>> -> memref<16x128xf32, #tpu.memory_space<hbm>>
    tpu.wait_dma2 semaphore(%arg10 : memref<!tpu.dma_semaphore, #tpu.memory_space<semaphore_mem>>) src(%dma_wait3A_641 : memref<16x128xf32, #tpu.memory_space<hbm>>) dst(%dma_wait3A_639 : memref<16x128xf32, #tpu.memory_space<vmem>>)
    %and3A_642 = arith.constant 127 : i32
    %and3A_643 = arith.andi %reduce_sum3A_501, %and3A_642 : i32
    %broadcast_in_dim3A_644 = vector.broadcast %and3A_643 : i32 to vector<16xi32>
    %gather3A_645 = arith.constant 2 : i32
    %gather3A_646 = arith.constant 0 : i32
    %gather3A_647 = arith.constant 0 : i32
    %gather3A_648 = tpu.memref_slice %arg6[%gather3A_645, %gather3A_646, %gather3A_647] : memref<4x16x128xf32, #tpu.memory_space<vmem>> -> memref<1x16x128xf32, #tpu.memory_space<vmem>>
    %gather3A_649 = tpu.memref_squeeze %gather3A_648 : memref<1x16x128xf32, #tpu.memory_space<vmem>> -> memref<16x128xf32, #tpu.memory_space<vmem>>
    %gather3A_650 = tpu.vector_load_idx %gather3A_649[%iota3A, %broadcast_in_dim3A_644] : memref<16x128xf32, #tpu.memory_space<vmem>>[vector<16xi32>, vector<16xi32>], vector<16xf32>,
    %swap3A_651 = arith.constant 10 : i32
    %swap3A_652 = arith.index_cast %swap3A_651 : i32 to index
    %swap3A_653 = arith.constant 0 : index
    %swap3A_654 = tpu.vector_load %arg7[%swap3A_652, %swap3A_653] {strides = array<i32>} : memref<24x16xf32, #tpu.memory_space<vmem>>, vector<16xf32>,
    tpu.vector_store %arg7[%swap3A_652, %swap3A_653], %gather3A_650 {strides = array<i32>} : memref<24x16xf32, #tpu.memory_space<vmem>>, vector<16xf32>,
    %get3A_655 = arith.constant 0 : index
    %get3A_656 = tpu.vector_load %arg5[%get3A_655] {strides = array<i32>} : memref<32xi32, #tpu.memory_space<vmem>>, vector<16xi32>,
    %eq3A_657 = arith.constant 13 : i32
    %eq3A_658 = vector.broadcast %eq3A_657 : i32 to vector<16xi32>
    %eq3A_659 = arith.cmpi eq, %iota3A_3, %eq3A_658 : vector<16xi32>
    %jit3A_660 = arith.constant 0 : i32
    %broadcast_in_dim3A_661 = vector.broadcast %jit3A_660 : i32 to vector<16xi32>
    %select_n3A_662 = arith.select %eq3A_659, %get3A_656, %broadcast_in_dim3A_661 : vector<16xi1>, vector<16xi32>
    %reduce_sum3A_663 = arith.constant true
    %reduce_sum3A_664 = vector.broadcast %reduce_sum3A_663 : i1 to vector<16xi1>
    %reduce_sum3A_665 = tpu.scan <sum>, %select_n3A_662 masked %reduce_sum3A_664 : vector<16xi32>, vector<16xi1> -> vector<16xi32>
    %reduce_sum3A_666 = vector.extract %reduce_sum3A_665[15] : i32 from vector<16xi32>
    %shift_right_arithmetic3A_667 = arith.constant 7 : i32
    %shift_right_arithmetic3A_668 = arith.shrsi %reduce_sum3A_666, %shift_right_arithmetic3A_667 : i32
    %mul3A_669 = arith.constant 128 : i32
    %mul3A_670 = arith.muli %shift_right_arithmetic3A_668, %mul3A_669 : i32
    %dma_start3A_671 = arith.constant 1 : i32
    %dma_start3A_672 = arith.constant 0 : i32
    %dma_start3A_673 = arith.constant 0 : i32
    %dma_start3A_674 = tpu.memref_slice %arg6[%dma_start3A_671, %dma_start3A_672, %dma_start3A_673] : memref<4x16x128xf32, #tpu.memory_space<vmem>> -> memref<1x16x128xf32, #tpu.memory_space<vmem>>
    %dma_start3A_675 = tpu.memref_squeeze %dma_start3A_674 : memref<1x16x128xf32, #tpu.memory_space<vmem>> -> memref<16x128xf32, #tpu.memory_space<vmem>>
    %dma_start3A_676 = arith.constant 0 : i32
    %dma_start3A_677 = tpu.memref_slice %arg3[%dma_start3A_676, %mul3A_670] : memref<16x100000xf32, #tpu.memory_space<hbm>> -> memref<16x128xf32, #tpu.memory_space<hbm>>
    %dma_start3A_678 = arith.constant 0 : i32
    %dma_start3A_679 = arith.constant 0 : i32
    %dma_start3A_680 = tpu.memref_slice %arg6[%dma_start3A_671, %dma_start3A_678, %dma_start3A_679] : memref<4x16x128xf32, #tpu.memory_space<vmem>> -> memref<1x16x128xf32, #tpu.memory_space<vmem>>
    %dma_start3A_681 = tpu.memref_squeeze %dma_start3A_680 : memref<1x16x128xf32, #tpu.memory_space<vmem>> -> memref<16x128xf32, #tpu.memory_space<vmem>>
    %dma_start3A_682 = arith.constant 0 : i32
    %dma_start3A_683 = tpu.memref_slice %arg3[%dma_start3A_682, %mul3A_670] : memref<16x100000xf32, #tpu.memory_space<hbm>> -> memref<16x128xf32, #tpu.memory_space<hbm>>
    tpu.enqueue_dma source(%dma_start3A_683 : memref<16x128xf32, #tpu.memory_space<hbm>>) target(%dma_start3A_681 : memref<16x128xf32, #tpu.memory_space<vmem>>) target_semaphore(%arg9 : memref<!tpu.dma_semaphore, #tpu.memory_space<semaphore_mem>>)
    %dma_wait3A_684 = arith.constant 3 : i32
    %dma_wait3A_685 = arith.constant 0 : i32
    %dma_wait3A_686 = arith.constant 0 : i32
    %dma_wait3A_687 = tpu.memref_slice %arg6[%dma_wait3A_684, %dma_wait3A_685, %dma_wait3A_686] : memref<4x16x128xf32, #tpu.memory_space<vmem>> -> memref<1x16x128xf32, #tpu.memory_space<vmem>>
    %dma_wait3A_688 = tpu.memref_squeeze %dma_wait3A_687 : memref<1x16x128xf32, #tpu.memory_space<vmem>> -> memref<16x128xf32, #tpu.memory_space<vmem>>
    %dma_wait3A_689 = arith.constant 0 : i32
    %dma_wait3A_690 = tpu.memref_slice %arg3[%dma_wait3A_689, %mul3A_560] : memref<16x100000xf32, #tpu.memory_space<hbm>> -> memref<16x128xf32, #tpu.memory_space<hbm>>
    %dma_wait3A_691 = arith.constant 0 : i32
    %dma_wait3A_692 = arith.constant 0 : i32
    %dma_wait3A_693 = tpu.memref_slice %arg6[%dma_wait3A_684, %dma_wait3A_691, %dma_wait3A_692] : memref<4x16x128xf32, #tpu.memory_space<vmem>> -> memref<1x16x128xf32, #tpu.memory_space<vmem>>
    %dma_wait3A_694 = tpu.memref_squeeze %dma_wait3A_693 : memref<1x16x128xf32, #tpu.memory_space<vmem>> -> memref<16x128xf32, #tpu.memory_space<vmem>>
    %dma_wait3A_695 = arith.constant 0 : i32
    %dma_wait3A_696 = tpu.memref_slice %arg3[%dma_wait3A_695, %mul3A_560] : memref<16x100000xf32, #tpu.memory_space<hbm>> -> memref<16x128xf32, #tpu.memory_space<hbm>>
    tpu.wait_dma2 semaphore(%arg11 : memref<!tpu.dma_semaphore, #tpu.memory_space<semaphore_mem>>) src(%dma_wait3A_696 : memref<16x128xf32, #tpu.memory_space<hbm>>) dst(%dma_wait3A_694 : memref<16x128xf32, #tpu.memory_space<vmem>>)
    %and3A_697 = arith.constant 127 : i32
    %and3A_698 = arith.andi %reduce_sum3A_556, %and3A_697 : i32
    %broadcast_in_dim3A_699 = vector.broadcast %and3A_698 : i32 to vector<16xi32>
    %gather3A_700 = arith.constant 3 : i32
    %gather3A_701 = arith.constant 0 : i32
    %gather3A_702 = arith.constant 0 : i32
    %gather3A_703 = tpu.memref_slice %arg6[%gather3A_700, %gather3A_701, %gather3A_702] : memref<4x16x128xf32, #tpu.memory_space<vmem>> -> memref<1x16x128xf32, #tpu.memory_space<vmem>>
    %gather3A_704 = tpu.memref_squeeze %gather3A_703 : memref<1x16x128xf32, #tpu.memory_space<vmem>> -> memref<16x128xf32, #tpu.memory_space<vmem>>
    %gather3A_705 = tpu.vector_load_idx %gather3A_704[%iota3A, %broadcast_in_dim3A_699] : memref<16x128xf32, #tpu.memory_space<vmem>>[vector<16xi32>, vector<16xi32>], vector<16xf32>,
    %swap3A_706 = arith.constant 11 : i32
    %swap3A_707 = arith.index_cast %swap3A_706 : i32 to index
    %swap3A_708 = arith.constant 0 : index
    %swap3A_709 = tpu.vector_load %arg7[%swap3A_707, %swap3A_708] {strides = array<i32>} : memref<24x16xf32, #tpu.memory_space<vmem>>, vector<16xf32>,
    tpu.vector_store %arg7[%swap3A_707, %swap3A_708], %gather3A_705 {strides = array<i32>} : memref<24x16xf32, #tpu.memory_space<vmem>>, vector<16xf32>,
    %get3A_710 = arith.constant 0 : index
    %get3A_711 = tpu.vector_load %arg5[%get3A_710] {strides = array<i32>} : memref<32xi32, #tpu.memory_space<vmem>>, vector<16xi32>,
    %eq3A_712 = arith.constant 14 : i32
    %eq3A_713 = vector.broadcast %eq3A_712 : i32 to vector<16xi32>
    %eq3A_714 = arith.cmpi eq, %iota3A_3, %eq3A_713 : vector<16xi32>
    %jit3A_715 = arith.constant 0 : i32
    %broadcast_in_dim3A_716 = vector.broadcast %jit3A_715 : i32 to vector<16xi32>
    %select_n3A_717 = arith.select %eq3A_714, %get3A_711, %broadcast_in_dim3A_716 : vector<16xi1>, vector<16xi32>
    %reduce_sum3A_718 = arith.constant true
    %reduce_sum3A_719 = vector.broadcast %reduce_sum3A_718 : i1 to vector<16xi1>
    %reduce_sum3A_720 = tpu.scan <sum>, %select_n3A_717 masked %reduce_sum3A_719 : vector<16xi32>, vector<16xi1> -> vector<16xi32>
    %reduce_sum3A_721 = vector.extract %reduce_sum3A_720[15] : i32 from vector<16xi32>
    %shift_right_arithmetic3A_722 = arith.constant 7 : i32
    %shift_right_arithmetic3A_723 = arith.shrsi %reduce_sum3A_721, %shift_right_arithmetic3A_722 : i32
    %mul3A_724 = arith.constant 128 : i32
    %mul3A_725 = arith.muli %shift_right_arithmetic3A_723, %mul3A_724 : i32
    %dma_start3A_726 = arith.constant 2 : i32
    %dma_start3A_727 = arith.constant 0 : i32
    %dma_start3A_728 = arith.constant 0 : i32
    %dma_start3A_729 = tpu.memref_slice %arg6[%dma_start3A_726, %dma_start3A_727, %dma_start3A_728] : memref<4x16x128xf32, #tpu.memory_space<vmem>> -> memref<1x16x128xf32, #tpu.memory_space<vmem>>
    %dma_start3A_730 = tpu.memref_squeeze %dma_start3A_729 : memref<1x16x128xf32, #tpu.memory_space<vmem>> -> memref<16x128xf32, #tpu.memory_space<vmem>>
    %dma_start3A_731 = arith.constant 0 : i32
    %dma_start3A_732 = tpu.memref_slice %arg3[%dma_start3A_731, %mul3A_725] : memref<16x100000xf32, #tpu.memory_space<hbm>> -> memref<16x128xf32, #tpu.memory_space<hbm>>
    %dma_start3A_733 = arith.constant 0 : i32
    %dma_start3A_734 = arith.constant 0 : i32
    %dma_start3A_735 = tpu.memref_slice %arg6[%dma_start3A_726, %dma_start3A_733, %dma_start3A_734] : memref<4x16x128xf32, #tpu.memory_space<vmem>> -> memref<1x16x128xf32, #tpu.memory_space<vmem>>
    %dma_start3A_736 = tpu.memref_squeeze %dma_start3A_735 : memref<1x16x128xf32, #tpu.memory_space<vmem>> -> memref<16x128xf32, #tpu.memory_space<vmem>>
    %dma_start3A_737 = arith.constant 0 : i32
    %dma_start3A_738 = tpu.memref_slice %arg3[%dma_start3A_737, %mul3A_725] : memref<16x100000xf32, #tpu.memory_space<hbm>> -> memref<16x128xf32, #tpu.memory_space<hbm>>
    tpu.enqueue_dma source(%dma_start3A_738 : memref<16x128xf32, #tpu.memory_space<hbm>>) target(%dma_start3A_736 : memref<16x128xf32, #tpu.memory_space<vmem>>) target_semaphore(%arg10 : memref<!tpu.dma_semaphore, #tpu.memory_space<semaphore_mem>>)
    %dma_wait3A_739 = arith.constant 0 : i32
    %dma_wait3A_740 = arith.constant 0 : i32
    %dma_wait3A_741 = arith.constant 0 : i32
    %dma_wait3A_742 = tpu.memref_slice %arg6[%dma_wait3A_739, %dma_wait3A_740, %dma_wait3A_741] : memref<4x16x128xf32, #tpu.memory_space<vmem>> -> memref<1x16x128xf32, #tpu.memory_space<vmem>>
    %dma_wait3A_743 = tpu.memref_squeeze %dma_wait3A_742 : memref<1x16x128xf32, #tpu.memory_space<vmem>> -> memref<16x128xf32, #tpu.memory_space<vmem>>
    %dma_wait3A_744 = arith.constant 0 : i32
    %dma_wait3A_745 = tpu.memref_slice %arg3[%dma_wait3A_744, %mul3A_615] : memref<16x100000xf32, #tpu.memory_space<hbm>> -> memref<16x128xf32, #tpu.memory_space<hbm>>
    %dma_wait3A_746 = arith.constant 0 : i32
    %dma_wait3A_747 = arith.constant 0 : i32
    %dma_wait3A_748 = tpu.memref_slice %arg6[%dma_wait3A_739, %dma_wait3A_746, %dma_wait3A_747] : memref<4x16x128xf32, #tpu.memory_space<vmem>> -> memref<1x16x128xf32, #tpu.memory_space<vmem>>
    %dma_wait3A_749 = tpu.memref_squeeze %dma_wait3A_748 : memref<1x16x128xf32, #tpu.memory_space<vmem>> -> memref<16x128xf32, #tpu.memory_space<vmem>>
    %dma_wait3A_750 = arith.constant 0 : i32
    %dma_wait3A_751 = tpu.memref_slice %arg3[%dma_wait3A_750, %mul3A_615] : memref<16x100000xf32, #tpu.memory_space<hbm>> -> memref<16x128xf32, #tpu.memory_space<hbm>>
    tpu.wait_dma2 semaphore(%arg8 : memref<!tpu.dma_semaphore, #tpu.memory_space<semaphore_mem>>) src(%dma_wait3A_751 : memref<16x128xf32, #tpu.memory_space<hbm>>) dst(%dma_wait3A_749 : memref<16x128xf32, #tpu.memory_space<vmem>>)
    %and3A_752 = arith.constant 127 : i32
    %and3A_753 = arith.andi %reduce_sum3A_611, %and3A_752 : i32
    %broadcast_in_dim3A_754 = vector.broadcast %and3A_753 : i32 to vector<16xi32>
    %gather3A_755 = arith.constant 0 : i32
    %gather3A_756 = arith.constant 0 : i32
    %gather3A_757 = arith.constant 0 : i32
    %gather3A_758 = tpu.memref_slice %arg6[%gather3A_755, %gather3A_756, %gather3A_757] : memref<4x16x128xf32, #tpu.memory_space<vmem>> -> memref<1x16x128xf32, #tpu.memory_space<vmem>>
    %gather3A_759 = tpu.memref_squeeze %gather3A_758 : memref<1x16x128xf32, #tpu.memory_space<vmem>> -> memref<16x128xf32, #tpu.memory_space<vmem>>
    %gather3A_760 = tpu.vector_load_idx %gather3A_759[%iota3A, %broadcast_in_dim3A_754] : memref<16x128xf32, #tpu.memory_space<vmem>>[vector<16xi32>, vector<16xi32>], vector<16xf32>,
    %swap3A_761 = arith.constant 12 : i32
    %swap3A_762 = arith.index_cast %swap3A_761 : i32 to index
    %swap3A_763 = arith.constant 0 : index
    %swap3A_764 = tpu.vector_load %arg7[%swap3A_762, %swap3A_763] {strides = array<i32>} : memref<24x16xf32, #tpu.memory_space<vmem>>, vector<16xf32>,
    tpu.vector_store %arg7[%swap3A_762, %swap3A_763], %gather3A_760 {strides = array<i32>} : memref<24x16xf32, #tpu.memory_space<vmem>>, vector<16xf32>,
    %get3A_765 = arith.constant 0 : index
    %get3A_766 = tpu.vector_load %arg5[%get3A_765] {strides = array<i32>} : memref<32xi32, #tpu.memory_space<vmem>>, vector<16xi32>,
    %eq3A_767 = arith.constant 15 : i32
    %eq3A_768 = vector.broadcast %eq3A_767 : i32 to vector<16xi32>
    %eq3A_769 = arith.cmpi eq, %iota3A_3, %eq3A_768 : vector<16xi32>
    %jit3A_770 = arith.constant 0 : i32
    %broadcast_in_dim3A_771 = vector.broadcast %jit3A_770 : i32 to vector<16xi32>
    %select_n3A_772 = arith.select %eq3A_769, %get3A_766, %broadcast_in_dim3A_771 : vector<16xi1>, vector<16xi32>
    %reduce_sum3A_773 = arith.constant true
    %reduce_sum3A_774 = vector.broadcast %reduce_sum3A_773 : i1 to vector<16xi1>
    %reduce_sum3A_775 = tpu.scan <sum>, %select_n3A_772 masked %reduce_sum3A_774 : vector<16xi32>, vector<16xi1> -> vector<16xi32>
    %reduce_sum3A_776 = vector.extract %reduce_sum3A_775[15] : i32 from vector<16xi32>
    %shift_right_arithmetic3A_777 = arith.constant 7 : i32
    %shift_right_arithmetic3A_778 = arith.shrsi %reduce_sum3A_776, %shift_right_arithmetic3A_777 : i32
    %mul3A_779 = arith.constant 128 : i32
    %mul3A_780 = arith.muli %shift_right_arithmetic3A_778, %mul3A_779 : i32
    %dma_start3A_781 = arith.constant 3 : i32
    %dma_start3A_782 = arith.constant 0 : i32
    %dma_start3A_783 = arith.constant 0 : i32
    %dma_start3A_784 = tpu.memref_slice %arg6[%dma_start3A_781, %dma_start3A_782, %dma_start3A_783] : memref<4x16x128xf32, #tpu.memory_space<vmem>> -> memref<1x16x128xf32, #tpu.memory_space<vmem>>
    %dma_start3A_785 = tpu.memref_squeeze %dma_start3A_784 : memref<1x16x128xf32, #tpu.memory_space<vmem>> -> memref<16x128xf32, #tpu.memory_space<vmem>>
    %dma_start3A_786 = arith.constant 0 : i32
    %dma_start3A_787 = tpu.memref_slice %arg3[%dma_start3A_786, %mul3A_780] : memref<16x100000xf32, #tpu.memory_space<hbm>> -> memref<16x128xf32, #tpu.memory_space<hbm>>
    %dma_start3A_788 = arith.constant 0 : i32
    %dma_start3A_789 = arith.constant 0 : i32
    %dma_start3A_790 = tpu.memref_slice %arg6[%dma_start3A_781, %dma_start3A_788, %dma_start3A_789] : memref<4x16x128xf32, #tpu.memory_space<vmem>> -> memref<1x16x128xf32, #tpu.memory_space<vmem>>
    %dma_start3A_791 = tpu.memref_squeeze %dma_start3A_790 : memref<1x16x128xf32, #tpu.memory_space<vmem>> -> memref<16x128xf32, #tpu.memory_space<vmem>>
    %dma_start3A_792 = arith.constant 0 : i32
    %dma_start3A_793 = tpu.memref_slice %arg3[%dma_start3A_792, %mul3A_780] : memref<16x100000xf32, #tpu.memory_space<hbm>> -> memref<16x128xf32, #tpu.memory_space<hbm>>
    tpu.enqueue_dma source(%dma_start3A_793 : memref<16x128xf32, #tpu.memory_space<hbm>>) target(%dma_start3A_791 : memref<16x128xf32, #tpu.memory_space<vmem>>) target_semaphore(%arg11 : memref<!tpu.dma_semaphore, #tpu.memory_space<semaphore_mem>>)
    %dma_wait3A_794 = arith.constant 1 : i32
    %dma_wait3A_795 = arith.constant 0 : i32
    %dma_wait3A_796 = arith.constant 0 : i32
    %dma_wait3A_797 = tpu.memref_slice %arg6[%dma_wait3A_794, %dma_wait3A_795, %dma_wait3A_796] : memref<4x16x128xf32, #tpu.memory_space<vmem>> -> memref<1x16x128xf32, #tpu.memory_space<vmem>>
    %dma_wait3A_798 = tpu.memref_squeeze %dma_wait3A_797 : memref<1x16x128xf32, #tpu.memory_space<vmem>> -> memref<16x128xf32, #tpu.memory_space<vmem>>
    %dma_wait3A_799 = arith.constant 0 : i32
    %dma_wait3A_800 = tpu.memref_slice %arg3[%dma_wait3A_799, %mul3A_670] : memref<16x100000xf32, #tpu.memory_space<hbm>> -> memref<16x128xf32, #tpu.memory_space<hbm>>
    %dma_wait3A_801 = arith.constant 0 : i32
    %dma_wait3A_802 = arith.constant 0 : i32
    %dma_wait3A_803 = tpu.memref_slice %arg6[%dma_wait3A_794, %dma_wait3A_801, %dma_wait3A_802] : memref<4x16x128xf32, #tpu.memory_space<vmem>> -> memref<1x16x128xf32, #tpu.memory_space<vmem>>
    %dma_wait3A_804 = tpu.memref_squeeze %dma_wait3A_803 : memref<1x16x128xf32, #tpu.memory_space<vmem>> -> memref<16x128xf32, #tpu.memory_space<vmem>>
    %dma_wait3A_805 = arith.constant 0 : i32
    %dma_wait3A_806 = tpu.memref_slice %arg3[%dma_wait3A_805, %mul3A_670] : memref<16x100000xf32, #tpu.memory_space<hbm>> -> memref<16x128xf32, #tpu.memory_space<hbm>>
    tpu.wait_dma2 semaphore(%arg9 : memref<!tpu.dma_semaphore, #tpu.memory_space<semaphore_mem>>) src(%dma_wait3A_806 : memref<16x128xf32, #tpu.memory_space<hbm>>) dst(%dma_wait3A_804 : memref<16x128xf32, #tpu.memory_space<vmem>>)
    %and3A_807 = arith.constant 127 : i32
    %and3A_808 = arith.andi %reduce_sum3A_666, %and3A_807 : i32
    %broadcast_in_dim3A_809 = vector.broadcast %and3A_808 : i32 to vector<16xi32>
    %gather3A_810 = arith.constant 1 : i32
    %gather3A_811 = arith.constant 0 : i32
    %gather3A_812 = arith.constant 0 : i32
    %gather3A_813 = tpu.memref_slice %arg6[%gather3A_810, %gather3A_811, %gather3A_812] : memref<4x16x128xf32, #tpu.memory_space<vmem>> -> memref<1x16x128xf32, #tpu.memory_space<vmem>>
    %gather3A_814 = tpu.memref_squeeze %gather3A_813 : memref<1x16x128xf32, #tpu.memory_space<vmem>> -> memref<16x128xf32, #tpu.memory_space<vmem>>
    %gather3A_815 = tpu.vector_load_idx %gather3A_814[%iota3A, %broadcast_in_dim3A_809] : memref<16x128xf32, #tpu.memory_space<vmem>>[vector<16xi32>, vector<16xi32>], vector<16xf32>,
    %swap3A_816 = arith.constant 13 : i32
    %swap3A_817 = arith.index_cast %swap3A_816 : i32 to index
    %swap3A_818 = arith.constant 0 : index
    %swap3A_819 = tpu.vector_load %arg7[%swap3A_817, %swap3A_818] {strides = array<i32>} : memref<24x16xf32, #tpu.memory_space<vmem>>, vector<16xf32>,
    tpu.vector_store %arg7[%swap3A_817, %swap3A_818], %gather3A_815 {strides = array<i32>} : memref<24x16xf32, #tpu.memory_space<vmem>>, vector<16xf32>,
    %get3A_820 = arith.constant 16 : index
    %get3A_821 = tpu.vector_load %arg5[%get3A_820] {strides = array<i32>} : memref<32xi32, #tpu.memory_space<vmem>>, vector<16xi32>,
    %eq3A_822 = arith.constant 0 : i32
    %eq3A_823 = vector.broadcast %eq3A_822 : i32 to vector<16xi32>
    %eq3A_824 = arith.cmpi eq, %iota3A_3, %eq3A_823 : vector<16xi32>
    %jit3A_825 = arith.constant 0 : i32
    %broadcast_in_dim3A_826 = vector.broadcast %jit3A_825 : i32 to vector<16xi32>
    %select_n3A_827 = arith.select %eq3A_824, %get3A_821, %broadcast_in_dim3A_826 : vector<16xi1>, vector<16xi32>
    %reduce_sum3A_828 = arith.constant true
    %reduce_sum3A_829 = vector.broadcast %reduce_sum3A_828 : i1 to vector<16xi1>
    %reduce_sum3A_830 = tpu.scan <sum>, %select_n3A_827 masked %reduce_sum3A_829 : vector<16xi32>, vector<16xi1> -> vector<16xi32>
    %reduce_sum3A_831 = vector.extract %reduce_sum3A_830[15] : i32 from vector<16xi32>
    %shift_right_arithmetic3A_832 = arith.constant 7 : i32
    %shift_right_arithmetic3A_833 = arith.shrsi %reduce_sum3A_831, %shift_right_arithmetic3A_832 : i32
    %mul3A_834 = arith.constant 128 : i32
    %mul3A_835 = arith.muli %shift_right_arithmetic3A_833, %mul3A_834 : i32
    %dma_start3A_836 = arith.constant 0 : i32
    %dma_start3A_837 = arith.constant 0 : i32
    %dma_start3A_838 = arith.constant 0 : i32
    %dma_start3A_839 = tpu.memref_slice %arg6[%dma_start3A_836, %dma_start3A_837, %dma_start3A_838] : memref<4x16x128xf32, #tpu.memory_space<vmem>> -> memref<1x16x128xf32, #tpu.memory_space<vmem>>
    %dma_start3A_840 = tpu.memref_squeeze %dma_start3A_839 : memref<1x16x128xf32, #tpu.memory_space<vmem>> -> memref<16x128xf32, #tpu.memory_space<vmem>>
    %dma_start3A_841 = arith.constant 0 : i32
    %dma_start3A_842 = tpu.memref_slice %arg3[%dma_start3A_841, %mul3A_835] : memref<16x100000xf32, #tpu.memory_space<hbm>> -> memref<16x128xf32, #tpu.memory_space<hbm>>
    %dma_start3A_843 = arith.constant 0 : i32
    %dma_start3A_844 = arith.constant 0 : i32
    %dma_start3A_845 = tpu.memref_slice %arg6[%dma_start3A_836, %dma_start3A_843, %dma_start3A_844] : memref<4x16x128xf32, #tpu.memory_space<vmem>> -> memref<1x16x128xf32, #tpu.memory_space<vmem>>
    %dma_start3A_846 = tpu.memref_squeeze %dma_start3A_845 : memref<1x16x128xf32, #tpu.memory_space<vmem>> -> memref<16x128xf32, #tpu.memory_space<vmem>>
    %dma_start3A_847 = arith.constant 0 : i32
    %dma_start3A_848 = tpu.memref_slice %arg3[%dma_start3A_847, %mul3A_835] : memref<16x100000xf32, #tpu.memory_space<hbm>> -> memref<16x128xf32, #tpu.memory_space<hbm>>
    tpu.enqueue_dma source(%dma_start3A_848 : memref<16x128xf32, #tpu.memory_space<hbm>>) target(%dma_start3A_846 : memref<16x128xf32, #tpu.memory_space<vmem>>) target_semaphore(%arg8 : memref<!tpu.dma_semaphore, #tpu.memory_space<semaphore_mem>>)
    %dma_wait3A_849 = arith.constant 2 : i32
    %dma_wait3A_850 = arith.constant 0 : i32
    %dma_wait3A_851 = arith.constant 0 : i32
    %dma_wait3A_852 = tpu.memref_slice %arg6[%dma_wait3A_849, %dma_wait3A_850, %dma_wait3A_851] : memref<4x16x128xf32, #tpu.memory_space<vmem>> -> memref<1x16x128xf32, #tpu.memory_space<vmem>>
    %dma_wait3A_853 = tpu.memref_squeeze %dma_wait3A_852 : memref<1x16x128xf32, #tpu.memory_space<vmem>> -> memref<16x128xf32, #tpu.memory_space<vmem>>
    %dma_wait3A_854 = arith.constant 0 : i32
    %dma_wait3A_855 = tpu.memref_slice %arg3[%dma_wait3A_854, %mul3A_725] : memref<16x100000xf32, #tpu.memory_space<hbm>> -> memref<16x128xf32, #tpu.memory_space<hbm>>
    %dma_wait3A_856 = arith.constant 0 : i32
    %dma_wait3A_857 = arith.constant 0 : i32
    %dma_wait3A_858 = tpu.memref_slice %arg6[%dma_wait3A_849, %dma_wait3A_856, %dma_wait3A_857] : memref<4x16x128xf32, #tpu.memory_space<vmem>> -> memref<1x16x128xf32, #tpu.memory_space<vmem>>
    %dma_wait3A_859 = tpu.memref_squeeze %dma_wait3A_858 : memref<1x16x128xf32, #tpu.memory_space<vmem>> -> memref<16x128xf32, #tpu.memory_space<vmem>>
    %dma_wait3A_860 = arith.constant 0 : i32
    %dma_wait3A_861 = tpu.memref_slice %arg3[%dma_wait3A_860, %mul3A_725] : memref<16x100000xf32, #tpu.memory_space<hbm>> -> memref<16x128xf32, #tpu.memory_space<hbm>>
    tpu.wait_dma2 semaphore(%arg10 : memref<!tpu.dma_semaphore, #tpu.memory_space<semaphore_mem>>) src(%dma_wait3A_861 : memref<16x128xf32, #tpu.memory_space<hbm>>) dst(%dma_wait3A_859 : memref<16x128xf32, #tpu.memory_space<vmem>>)
    %and3A_862 = arith.constant 127 : i32
    %and3A_863 = arith.andi %reduce_sum3A_721, %and3A_862 : i32
    %broadcast_in_dim3A_864 = vector.broadcast %and3A_863 : i32 to vector<16xi32>
    %gather3A_865 = arith.constant 2 : i32
    %gather3A_866 = arith.constant 0 : i32
    %gather3A_867 = arith.constant 0 : i32
    %gather3A_868 = tpu.memref_slice %arg6[%gather3A_865, %gather3A_866, %gather3A_867] : memref<4x16x128xf32, #tpu.memory_space<vmem>> -> memref<1x16x128xf32, #tpu.memory_space<vmem>>
    %gather3A_869 = tpu.memref_squeeze %gather3A_868 : memref<1x16x128xf32, #tpu.memory_space<vmem>> -> memref<16x128xf32, #tpu.memory_space<vmem>>
    %gather3A_870 = tpu.vector_load_idx %gather3A_869[%iota3A, %broadcast_in_dim3A_864] : memref<16x128xf32, #tpu.memory_space<vmem>>[vector<16xi32>, vector<16xi32>], vector<16xf32>,
    %swap3A_871 = arith.constant 14 : i32
    %swap3A_872 = arith.index_cast %swap3A_871 : i32 to index
    %swap3A_873 = arith.constant 0 : index
    %swap3A_874 = tpu.vector_load %arg7[%swap3A_872, %swap3A_873] {strides = array<i32>} : memref<24x16xf32, #tpu.memory_space<vmem>>, vector<16xf32>,
    tpu.vector_store %arg7[%swap3A_872, %swap3A_873], %gather3A_870 {strides = array<i32>} : memref<24x16xf32, #tpu.memory_space<vmem>>, vector<16xf32>,
    %get3A_875 = arith.constant 16 : index
    %get3A_876 = tpu.vector_load %arg5[%get3A_875] {strides = array<i32>} : memref<32xi32, #tpu.memory_space<vmem>>, vector<16xi32>,
    %eq3A_877 = arith.constant 1 : i32
    %eq3A_878 = vector.broadcast %eq3A_877 : i32 to vector<16xi32>
    %eq3A_879 = arith.cmpi eq, %iota3A_3, %eq3A_878 : vector<16xi32>
    %jit3A_880 = arith.constant 0 : i32
    %broadcast_in_dim3A_881 = vector.broadcast %jit3A_880 : i32 to vector<16xi32>
    %select_n3A_882 = arith.select %eq3A_879, %get3A_876, %broadcast_in_dim3A_881 : vector<16xi1>, vector<16xi32>
    %reduce_sum3A_883 = arith.constant true
    %reduce_sum3A_884 = vector.broadcast %reduce_sum3A_883 : i1 to vector<16xi1>
    %reduce_sum3A_885 = tpu.scan <sum>, %select_n3A_882 masked %reduce_sum3A_884 : vector<16xi32>, vector<16xi1> -> vector<16xi32>
    %reduce_sum3A_886 = vector.extract %reduce_sum3A_885[15] : i32 from vector<16xi32>
    %shift_right_arithmetic3A_887 = arith.constant 7 : i32
    %shift_right_arithmetic3A_888 = arith.shrsi %reduce_sum3A_886, %shift_right_arithmetic3A_887 : i32
    %mul3A_889 = arith.constant 128 : i32
    %mul3A_890 = arith.muli %shift_right_arithmetic3A_888, %mul3A_889 : i32
    %dma_start3A_891 = arith.constant 1 : i32
    %dma_start3A_892 = arith.constant 0 : i32
    %dma_start3A_893 = arith.constant 0 : i32
    %dma_start3A_894 = tpu.memref_slice %arg6[%dma_start3A_891, %dma_start3A_892, %dma_start3A_893] : memref<4x16x128xf32, #tpu.memory_space<vmem>> -> memref<1x16x128xf32, #tpu.memory_space<vmem>>
    %dma_start3A_895 = tpu.memref_squeeze %dma_start3A_894 : memref<1x16x128xf32, #tpu.memory_space<vmem>> -> memref<16x128xf32, #tpu.memory_space<vmem>>
    %dma_start3A_896 = arith.constant 0 : i32
    %dma_start3A_897 = tpu.memref_slice %arg3[%dma_start3A_896, %mul3A_890] : memref<16x100000xf32, #tpu.memory_space<hbm>> -> memref<16x128xf32, #tpu.memory_space<hbm>>
    %dma_start3A_898 = arith.constant 0 : i32
    %dma_start3A_899 = arith.constant 0 : i32
    %dma_start3A_900 = tpu.memref_slice %arg6[%dma_start3A_891, %dma_start3A_898, %dma_start3A_899] : memref<4x16x128xf32, #tpu.memory_space<vmem>> -> memref<1x16x128xf32, #tpu.memory_space<vmem>>
    %dma_start3A_901 = tpu.memref_squeeze %dma_start3A_900 : memref<1x16x128xf32, #tpu.memory_space<vmem>> -> memref<16x128xf32, #tpu.memory_space<vmem>>
    %dma_start3A_902 = arith.constant 0 : i32
    %dma_start3A_903 = tpu.memref_slice %arg3[%dma_start3A_902, %mul3A_890] : memref<16x100000xf32, #tpu.memory_space<hbm>> -> memref<16x128xf32, #tpu.memory_space<hbm>>
    tpu.enqueue_dma source(%dma_start3A_903 : memref<16x128xf32, #tpu.memory_space<hbm>>) target(%dma_start3A_901 : memref<16x128xf32, #tpu.memory_space<vmem>>) target_semaphore(%arg9 : memref<!tpu.dma_semaphore, #tpu.memory_space<semaphore_mem>>)
    %dma_wait3A_904 = arith.constant 3 : i32
    %dma_wait3A_905 = arith.constant 0 : i32
    %dma_wait3A_906 = arith.constant 0 : i32
    %dma_wait3A_907 = tpu.memref_slice %arg6[%dma_wait3A_904, %dma_wait3A_905, %dma_wait3A_906] : memref<4x16x128xf32, #tpu.memory_space<vmem>> -> memref<1x16x128xf32, #tpu.memory_space<vmem>>
    %dma_wait3A_908 = tpu.memref_squeeze %dma_wait3A_907 : memref<1x16x128xf32, #tpu.memory_space<vmem>> -> memref<16x128xf32, #tpu.memory_space<vmem>>
    %dma_wait3A_909 = arith.constant 0 : i32
    %dma_wait3A_910 = tpu.memref_slice %arg3[%dma_wait3A_909, %mul3A_780] : memref<16x100000xf32, #tpu.memory_space<hbm>> -> memref<16x128xf32, #tpu.memory_space<hbm>>
    %dma_wait3A_911 = arith.constant 0 : i32
    %dma_wait3A_912 = arith.constant 0 : i32
    %dma_wait3A_913 = tpu.memref_slice %arg6[%dma_wait3A_904, %dma_wait3A_911, %dma_wait3A_912] : memref<4x16x128xf32, #tpu.memory_space<vmem>> -> memref<1x16x128xf32, #tpu.memory_space<vmem>>
    %dma_wait3A_914 = tpu.memref_squeeze %dma_wait3A_913 : memref<1x16x128xf32, #tpu.memory_space<vmem>> -> memref<16x128xf32, #tpu.memory_space<vmem>>
    %dma_wait3A_915 = arith.constant 0 : i32
    %dma_wait3A_916 = tpu.memref_slice %arg3[%dma_wait3A_915, %mul3A_780] : memref<16x100000xf32, #tpu.memory_space<hbm>> -> memref<16x128xf32, #tpu.memory_space<hbm>>
    tpu.wait_dma2 semaphore(%arg11 : memref<!tpu.dma_semaphore, #tpu.memory_space<semaphore_mem>>) src(%dma_wait3A_916 : memref<16x128xf32, #tpu.memory_space<hbm>>) dst(%dma_wait3A_914 : memref<16x128xf32, #tpu.memory_space<vmem>>)
    %and3A_917 = arith.constant 127 : i32
    %and3A_918 = arith.andi %reduce_sum3A_776, %and3A_917 : i32
    %broadcast_in_dim3A_919 = vector.broadcast %and3A_918 : i32 to vector<16xi32>
    %gather3A_920 = arith.constant 3 : i32
    %gather3A_921 = arith.constant 0 : i32
    %gather3A_922 = arith.constant 0 : i32
    %gather3A_923 = tpu.memref_slice %arg6[%gather3A_920, %gather3A_921, %gather3A_922] : memref<4x16x128xf32, #tpu.memory_space<vmem>> -> memref<1x16x128xf32, #tpu.memory_space<vmem>>
    %gather3A_924 = tpu.memref_squeeze %gather3A_923 : memref<1x16x128xf32, #tpu.memory_space<vmem>> -> memref<16x128xf32, #tpu.memory_space<vmem>>
    %gather3A_925 = tpu.vector_load_idx %gather3A_924[%iota3A, %broadcast_in_dim3A_919] : memref<16x128xf32, #tpu.memory_space<vmem>>[vector<16xi32>, vector<16xi32>], vector<16xf32>,
    %swap3A_926 = arith.constant 15 : i32
    %swap3A_927 = arith.index_cast %swap3A_926 : i32 to index
    %swap3A_928 = arith.constant 0 : index
    %swap3A_929 = tpu.vector_load %arg7[%swap3A_927, %swap3A_928] {strides = array<i32>} : memref<24x16xf32, #tpu.memory_space<vmem>>, vector<16xf32>,
    tpu.vector_store %arg7[%swap3A_927, %swap3A_928], %gather3A_925 {strides = array<i32>} : memref<24x16xf32, #tpu.memory_space<vmem>>, vector<16xf32>,
    %get3A_930 = arith.constant 16 : index
    %get3A_931 = tpu.vector_load %arg5[%get3A_930] {strides = array<i32>} : memref<32xi32, #tpu.memory_space<vmem>>, vector<16xi32>,
    %eq3A_932 = arith.constant 2 : i32
    %eq3A_933 = vector.broadcast %eq3A_932 : i32 to vector<16xi32>
    %eq3A_934 = arith.cmpi eq, %iota3A_3, %eq3A_933 : vector<16xi32>
    %jit3A_935 = arith.constant 0 : i32
    %broadcast_in_dim3A_936 = vector.broadcast %jit3A_935 : i32 to vector<16xi32>
    %select_n3A_937 = arith.select %eq3A_934, %get3A_931, %broadcast_in_dim3A_936 : vector<16xi1>, vector<16xi32>
    %reduce_sum3A_938 = arith.constant true
    %reduce_sum3A_939 = vector.broadcast %reduce_sum3A_938 : i1 to vector<16xi1>
    %reduce_sum3A_940 = tpu.scan <sum>, %select_n3A_937 masked %reduce_sum3A_939 : vector<16xi32>, vector<16xi1> -> vector<16xi32>
    %reduce_sum3A_941 = vector.extract %reduce_sum3A_940[15] : i32 from vector<16xi32>
    %shift_right_arithmetic3A_942 = arith.constant 7 : i32
    %shift_right_arithmetic3A_943 = arith.shrsi %reduce_sum3A_941, %shift_right_arithmetic3A_942 : i32
    %mul3A_944 = arith.constant 128 : i32
    %mul3A_945 = arith.muli %shift_right_arithmetic3A_943, %mul3A_944 : i32
    %dma_start3A_946 = arith.constant 2 : i32
    %dma_start3A_947 = arith.constant 0 : i32
    %dma_start3A_948 = arith.constant 0 : i32
    %dma_start3A_949 = tpu.memref_slice %arg6[%dma_start3A_946, %dma_start3A_947, %dma_start3A_948] : memref<4x16x128xf32, #tpu.memory_space<vmem>> -> memref<1x16x128xf32, #tpu.memory_space<vmem>>
    %dma_start3A_950 = tpu.memref_squeeze %dma_start3A_949 : memref<1x16x128xf32, #tpu.memory_space<vmem>> -> memref<16x128xf32, #tpu.memory_space<vmem>>
    %dma_start3A_951 = arith.constant 0 : i32
    %dma_start3A_952 = tpu.memref_slice %arg3[%dma_start3A_951, %mul3A_945] : memref<16x100000xf32, #tpu.memory_space<hbm>> -> memref<16x128xf32, #tpu.memory_space<hbm>>
    %dma_start3A_953 = arith.constant 0 : i32
    %dma_start3A_954 = arith.constant 0 : i32
    %dma_start3A_955 = tpu.memref_slice %arg6[%dma_start3A_946, %dma_start3A_953, %dma_start3A_954] : memref<4x16x128xf32, #tpu.memory_space<vmem>> -> memref<1x16x128xf32, #tpu.memory_space<vmem>>
    %dma_start3A_956 = tpu.memref_squeeze %dma_start3A_955 : memref<1x16x128xf32, #tpu.memory_space<vmem>> -> memref<16x128xf32, #tpu.memory_space<vmem>>
    %dma_start3A_957 = arith.constant 0 : i32
    %dma_start3A_958 = tpu.memref_slice %arg3[%dma_start3A_957, %mul3A_945] : memref<16x100000xf32, #tpu.memory_space<hbm>> -> memref<16x128xf32, #tpu.memory_space<hbm>>
    tpu.enqueue_dma source(%dma_start3A_958 : memref<16x128xf32, #tpu.memory_space<hbm>>) target(%dma_start3A_956 : memref<16x128xf32, #tpu.memory_space<vmem>>) target_semaphore(%arg10 : memref<!tpu.dma_semaphore, #tpu.memory_space<semaphore_mem>>)
    %dma_wait3A_959 = arith.constant 0 : i32
    %dma_wait3A_960 = arith.constant 0 : i32
    %dma_wait3A_961 = arith.constant 0 : i32
    %dma_wait3A_962 = tpu.memref_slice %arg6[%dma_wait3A_959, %dma_wait3A_960, %dma_wait3A_961] : memref<4x16x128xf32, #tpu.memory_space<vmem>> -> memref<1x16x128xf32, #tpu.memory_space<vmem>>
    %dma_wait3A_963 = tpu.memref_squeeze %dma_wait3A_962 : memref<1x16x128xf32, #tpu.memory_space<vmem>> -> memref<16x128xf32, #tpu.memory_space<vmem>>
    %dma_wait3A_964 = arith.constant 0 : i32
    %dma_wait3A_965 = tpu.memref_slice %arg3[%dma_wait3A_964, %mul3A_835] : memref<16x100000xf32, #tpu.memory_space<hbm>> -> memref<16x128xf32, #tpu.memory_space<hbm>>
    %dma_wait3A_966 = arith.constant 0 : i32
    %dma_wait3A_967 = arith.constant 0 : i32
    %dma_wait3A_968 = tpu.memref_slice %arg6[%dma_wait3A_959, %dma_wait3A_966, %dma_wait3A_967] : memref<4x16x128xf32, #tpu.memory_space<vmem>> -> memref<1x16x128xf32, #tpu.memory_space<vmem>>
    %dma_wait3A_969 = tpu.memref_squeeze %dma_wait3A_968 : memref<1x16x128xf32, #tpu.memory_space<vmem>> -> memref<16x128xf32, #tpu.memory_space<vmem>>
    %dma_wait3A_970 = arith.constant 0 : i32
    %dma_wait3A_971 = tpu.memref_slice %arg3[%dma_wait3A_970, %mul3A_835] : memref<16x100000xf32, #tpu.memory_space<hbm>> -> memref<16x128xf32, #tpu.memory_space<hbm>>
    tpu.wait_dma2 semaphore(%arg8 : memref<!tpu.dma_semaphore, #tpu.memory_space<semaphore_mem>>) src(%dma_wait3A_971 : memref<16x128xf32, #tpu.memory_space<hbm>>) dst(%dma_wait3A_969 : memref<16x128xf32, #tpu.memory_space<vmem>>)
    %and3A_972 = arith.constant 127 : i32
    %and3A_973 = arith.andi %reduce_sum3A_831, %and3A_972 : i32
    %broadcast_in_dim3A_974 = vector.broadcast %and3A_973 : i32 to vector<16xi32>
    %gather3A_975 = arith.constant 0 : i32
    %gather3A_976 = arith.constant 0 : i32
    %gather3A_977 = arith.constant 0 : i32
    %gather3A_978 = tpu.memref_slice %arg6[%gather3A_975, %gather3A_976, %gather3A_977] : memref<4x16x128xf32, #tpu.memory_space<vmem>> -> memref<1x16x128xf32, #tpu.memory_space<vmem>>
    %gather3A_979 = tpu.memref_squeeze %gather3A_978 : memref<1x16x128xf32, #tpu.memory_space<vmem>> -> memref<16x128xf32, #tpu.memory_space<vmem>>
    %gather3A_980 = tpu.vector_load_idx %gather3A_979[%iota3A, %broadcast_in_dim3A_974] : memref<16x128xf32, #tpu.memory_space<vmem>>[vector<16xi32>, vector<16xi32>], vector<16xf32>,
    %swap3A_981 = arith.constant 16 : i32
    %swap3A_982 = arith.index_cast %swap3A_981 : i32 to index
    %swap3A_983 = arith.constant 0 : index
    %swap3A_984 = tpu.vector_load %arg7[%swap3A_982, %swap3A_983] {strides = array<i32>} : memref<24x16xf32, #tpu.memory_space<vmem>>, vector<16xf32>,
    tpu.vector_store %arg7[%swap3A_982, %swap3A_983], %gather3A_980 {strides = array<i32>} : memref<24x16xf32, #tpu.memory_space<vmem>>, vector<16xf32>,
    %get3A_985 = arith.constant 16 : index
    %get3A_986 = tpu.vector_load %arg5[%get3A_985] {strides = array<i32>} : memref<32xi32, #tpu.memory_space<vmem>>, vector<16xi32>,
    %eq3A_987 = arith.constant 3 : i32
    %eq3A_988 = vector.broadcast %eq3A_987 : i32 to vector<16xi32>
    %eq3A_989 = arith.cmpi eq, %iota3A_3, %eq3A_988 : vector<16xi32>
    %jit3A_990 = arith.constant 0 : i32
    %broadcast_in_dim3A_991 = vector.broadcast %jit3A_990 : i32 to vector<16xi32>
    %select_n3A_992 = arith.select %eq3A_989, %get3A_986, %broadcast_in_dim3A_991 : vector<16xi1>, vector<16xi32>
    %reduce_sum3A_993 = arith.constant true
    %reduce_sum3A_994 = vector.broadcast %reduce_sum3A_993 : i1 to vector<16xi1>
    %reduce_sum3A_995 = tpu.scan <sum>, %select_n3A_992 masked %reduce_sum3A_994 : vector<16xi32>, vector<16xi1> -> vector<16xi32>
    %reduce_sum3A_996 = vector.extract %reduce_sum3A_995[15] : i32 from vector<16xi32>
    %shift_right_arithmetic3A_997 = arith.constant 7 : i32
    %shift_right_arithmetic3A_998 = arith.shrsi %reduce_sum3A_996, %shift_right_arithmetic3A_997 : i32
    %mul3A_999 = arith.constant 128 : i32
    %mul3A_1000 = arith.muli %shift_right_arithmetic3A_998, %mul3A_999 : i32
    %dma_start3A_1001 = arith.constant 3 : i32
    %dma_start3A_1002 = arith.constant 0 : i32
    %dma_start3A_1003 = arith.constant 0 : i32
    %dma_start3A_1004 = tpu.memref_slice %arg6[%dma_start3A_1001, %dma_start3A_1002, %dma_start3A_1003] : memref<4x16x128xf32, #tpu.memory_space<vmem>> -> memref<1x16x128xf32, #tpu.memory_space<vmem>>
    %dma_start3A_1005 = tpu.memref_squeeze %dma_start3A_1004 : memref<1x16x128xf32, #tpu.memory_space<vmem>> -> memref<16x128xf32, #tpu.memory_space<vmem>>
    %dma_start3A_1006 = arith.constant 0 : i32
    %dma_start3A_1007 = tpu.memref_slice %arg3[%dma_start3A_1006, %mul3A_1000] : memref<16x100000xf32, #tpu.memory_space<hbm>> -> memref<16x128xf32, #tpu.memory_space<hbm>>
    %dma_start3A_1008 = arith.constant 0 : i32
    %dma_start3A_1009 = arith.constant 0 : i32
    %dma_start3A_1010 = tpu.memref_slice %arg6[%dma_start3A_1001, %dma_start3A_1008, %dma_start3A_1009] : memref<4x16x128xf32, #tpu.memory_space<vmem>> -> memref<1x16x128xf32, #tpu.memory_space<vmem>>
    %dma_start3A_1011 = tpu.memref_squeeze %dma_start3A_1010 : memref<1x16x128xf32, #tpu.memory_space<vmem>> -> memref<16x128xf32, #tpu.memory_space<vmem>>
    %dma_start3A_1012 = arith.constant 0 : i32
    %dma_start3A_1013 = tpu.memref_slice %arg3[%dma_start3A_1012, %mul3A_1000] : memref<16x100000xf32, #tpu.memory_space<hbm>> -> memref<16x128xf32, #tpu.memory_space<hbm>>
    tpu.enqueue_dma source(%dma_start3A_1013 : memref<16x128xf32, #tpu.memory_space<hbm>>) target(%dma_start3A_1011 : memref<16x128xf32, #tpu.memory_space<vmem>>) target_semaphore(%arg11 : memref<!tpu.dma_semaphore, #tpu.memory_space<semaphore_mem>>)
    %dma_wait3A_1014 = arith.constant 1 : i32
    %dma_wait3A_1015 = arith.constant 0 : i32
    %dma_wait3A_1016 = arith.constant 0 : i32
    %dma_wait3A_1017 = tpu.memref_slice %arg6[%dma_wait3A_1014, %dma_wait3A_1015, %dma_wait3A_1016] : memref<4x16x128xf32, #tpu.memory_space<vmem>> -> memref<1x16x128xf32, #tpu.memory_space<vmem>>
    %dma_wait3A_1018 = tpu.memref_squeeze %dma_wait3A_1017 : memref<1x16x128xf32, #tpu.memory_space<vmem>> -> memref<16x128xf32, #tpu.memory_space<vmem>>
    %dma_wait3A_1019 = arith.constant 0 : i32
    %dma_wait3A_1020 = tpu.memref_slice %arg3[%dma_wait3A_1019, %mul3A_890] : memref<16x100000xf32, #tpu.memory_space<hbm>> -> memref<16x128xf32, #tpu.memory_space<hbm>>
    %dma_wait3A_1021 = arith.constant 0 : i32
    %dma_wait3A_1022 = arith.constant 0 : i32
    %dma_wait3A_1023 = tpu.memref_slice %arg6[%dma_wait3A_1014, %dma_wait3A_1021, %dma_wait3A_1022] : memref<4x16x128xf32, #tpu.memory_space<vmem>> -> memref<1x16x128xf32, #tpu.memory_space<vmem>>
    %dma_wait3A_1024 = tpu.memref_squeeze %dma_wait3A_1023 : memref<1x16x128xf32, #tpu.memory_space<vmem>> -> memref<16x128xf32, #tpu.memory_space<vmem>>
    %dma_wait3A_1025 = arith.constant 0 : i32
    %dma_wait3A_1026 = tpu.memref_slice %arg3[%dma_wait3A_1025, %mul3A_890] : memref<16x100000xf32, #tpu.memory_space<hbm>> -> memref<16x128xf32, #tpu.memory_space<hbm>>
    tpu.wait_dma2 semaphore(%arg9 : memref<!tpu.dma_semaphore, #tpu.memory_space<semaphore_mem>>) src(%dma_wait3A_1026 : memref<16x128xf32, #tpu.memory_space<hbm>>) dst(%dma_wait3A_1024 : memref<16x128xf32, #tpu.memory_space<vmem>>)
    %and3A_1027 = arith.constant 127 : i32
    %and3A_1028 = arith.andi %reduce_sum3A_886, %and3A_1027 : i32
    %broadcast_in_dim3A_1029 = vector.broadcast %and3A_1028 : i32 to vector<16xi32>
    %gather3A_1030 = arith.constant 1 : i32
    %gather3A_1031 = arith.constant 0 : i32
    %gather3A_1032 = arith.constant 0 : i32
    %gather3A_1033 = tpu.memref_slice %arg6[%gather3A_1030, %gather3A_1031, %gather3A_1032] : memref<4x16x128xf32, #tpu.memory_space<vmem>> -> memref<1x16x128xf32, #tpu.memory_space<vmem>>
    %gather3A_1034 = tpu.memref_squeeze %gather3A_1033 : memref<1x16x128xf32, #tpu.memory_space<vmem>> -> memref<16x128xf32, #tpu.memory_space<vmem>>
    %gather3A_1035 = tpu.vector_load_idx %gather3A_1034[%iota3A, %broadcast_in_dim3A_1029] : memref<16x128xf32, #tpu.memory_space<vmem>>[vector<16xi32>, vector<16xi32>], vector<16xf32>,
    %swap3A_1036 = arith.constant 17 : i32
    %swap3A_1037 = arith.index_cast %swap3A_1036 : i32 to index
    %swap3A_1038 = arith.constant 0 : index
    %swap3A_1039 = tpu.vector_load %arg7[%swap3A_1037, %swap3A_1038] {strides = array<i32>} : memref<24x16xf32, #tpu.memory_space<vmem>>, vector<16xf32>,
    tpu.vector_store %arg7[%swap3A_1037, %swap3A_1038], %gather3A_1035 {strides = array<i32>} : memref<24x16xf32, #tpu.memory_space<vmem>>, vector<16xf32>,
    %get3A_1040 = arith.constant 16 : index
    %get3A_1041 = tpu.vector_load %arg5[%get3A_1040] {strides = array<i32>} : memref<32xi32, #tpu.memory_space<vmem>>, vector<16xi32>,
    %eq3A_1042 = arith.constant 4 : i32
    %eq3A_1043 = vector.broadcast %eq3A_1042 : i32 to vector<16xi32>
    %eq3A_1044 = arith.cmpi eq, %iota3A_3, %eq3A_1043 : vector<16xi32>
    %jit3A_1045 = arith.constant 0 : i32
    %broadcast_in_dim3A_1046 = vector.broadcast %jit3A_1045 : i32 to vector<16xi32>
    %select_n3A_1047 = arith.select %eq3A_1044, %get3A_1041, %broadcast_in_dim3A_1046 : vector<16xi1>, vector<16xi32>
    %reduce_sum3A_1048 = arith.constant true
    %reduce_sum3A_1049 = vector.broadcast %reduce_sum3A_1048 : i1 to vector<16xi1>
    %reduce_sum3A_1050 = tpu.scan <sum>, %select_n3A_1047 masked %reduce_sum3A_1049 : vector<16xi32>, vector<16xi1> -> vector<16xi32>
    %reduce_sum3A_1051 = vector.extract %reduce_sum3A_1050[15] : i32 from vector<16xi32>
    %shift_right_arithmetic3A_1052 = arith.constant 7 : i32
    %shift_right_arithmetic3A_1053 = arith.shrsi %reduce_sum3A_1051, %shift_right_arithmetic3A_1052 : i32
    %mul3A_1054 = arith.constant 128 : i32
    %mul3A_1055 = arith.muli %shift_right_arithmetic3A_1053, %mul3A_1054 : i32
    %dma_start3A_1056 = arith.constant 0 : i32
    %dma_start3A_1057 = arith.constant 0 : i32
    %dma_start3A_1058 = arith.constant 0 : i32
    %dma_start3A_1059 = tpu.memref_slice %arg6[%dma_start3A_1056, %dma_start3A_1057, %dma_start3A_1058] : memref<4x16x128xf32, #tpu.memory_space<vmem>> -> memref<1x16x128xf32, #tpu.memory_space<vmem>>
    %dma_start3A_1060 = tpu.memref_squeeze %dma_start3A_1059 : memref<1x16x128xf32, #tpu.memory_space<vmem>> -> memref<16x128xf32, #tpu.memory_space<vmem>>
    %dma_start3A_1061 = arith.constant 0 : i32
    %dma_start3A_1062 = tpu.memref_slice %arg3[%dma_start3A_1061, %mul3A_1055] : memref<16x100000xf32, #tpu.memory_space<hbm>> -> memref<16x128xf32, #tpu.memory_space<hbm>>
    %dma_start3A_1063 = arith.constant 0 : i32
    %dma_start3A_1064 = arith.constant 0 : i32
    %dma_start3A_1065 = tpu.memref_slice %arg6[%dma_start3A_1056, %dma_start3A_1063, %dma_start3A_1064] : memref<4x16x128xf32, #tpu.memory_space<vmem>> -> memref<1x16x128xf32, #tpu.memory_space<vmem>>
    %dma_start3A_1066 = tpu.memref_squeeze %dma_start3A_1065 : memref<1x16x128xf32, #tpu.memory_space<vmem>> -> memref<16x128xf32, #tpu.memory_space<vmem>>
    %dma_start3A_1067 = arith.constant 0 : i32
    %dma_start3A_1068 = tpu.memref_slice %arg3[%dma_start3A_1067, %mul3A_1055] : memref<16x100000xf32, #tpu.memory_space<hbm>> -> memref<16x128xf32, #tpu.memory_space<hbm>>
    tpu.enqueue_dma source(%dma_start3A_1068 : memref<16x128xf32, #tpu.memory_space<hbm>>) target(%dma_start3A_1066 : memref<16x128xf32, #tpu.memory_space<vmem>>) target_semaphore(%arg8 : memref<!tpu.dma_semaphore, #tpu.memory_space<semaphore_mem>>)
    %dma_wait3A_1069 = arith.constant 2 : i32
    %dma_wait3A_1070 = arith.constant 0 : i32
    %dma_wait3A_1071 = arith.constant 0 : i32
    %dma_wait3A_1072 = tpu.memref_slice %arg6[%dma_wait3A_1069, %dma_wait3A_1070, %dma_wait3A_1071] : memref<4x16x128xf32, #tpu.memory_space<vmem>> -> memref<1x16x128xf32, #tpu.memory_space<vmem>>
    %dma_wait3A_1073 = tpu.memref_squeeze %dma_wait3A_1072 : memref<1x16x128xf32, #tpu.memory_space<vmem>> -> memref<16x128xf32, #tpu.memory_space<vmem>>
    %dma_wait3A_1074 = arith.constant 0 : i32
    %dma_wait3A_1075 = tpu.memref_slice %arg3[%dma_wait3A_1074, %mul3A_945] : memref<16x100000xf32, #tpu.memory_space<hbm>> -> memref<16x128xf32, #tpu.memory_space<hbm>>
    %dma_wait3A_1076 = arith.constant 0 : i32
    %dma_wait3A_1077 = arith.constant 0 : i32
    %dma_wait3A_1078 = tpu.memref_slice %arg6[%dma_wait3A_1069, %dma_wait3A_1076, %dma_wait3A_1077] : memref<4x16x128xf32, #tpu.memory_space<vmem>> -> memref<1x16x128xf32, #tpu.memory_space<vmem>>
    %dma_wait3A_1079 = tpu.memref_squeeze %dma_wait3A_1078 : memref<1x16x128xf32, #tpu.memory_space<vmem>> -> memref<16x128xf32, #tpu.memory_space<vmem>>
    %dma_wait3A_1080 = arith.constant 0 : i32
    %dma_wait3A_1081 = tpu.memref_slice %arg3[%dma_wait3A_1080, %mul3A_945] : memref<16x100000xf32, #tpu.memory_space<hbm>> -> memref<16x128xf32, #tpu.memory_space<hbm>>
    tpu.wait_dma2 semaphore(%arg10 : memref<!tpu.dma_semaphore, #tpu.memory_space<semaphore_mem>>) src(%dma_wait3A_1081 : memref<16x128xf32, #tpu.memory_space<hbm>>) dst(%dma_wait3A_1079 : memref<16x128xf32, #tpu.memory_space<vmem>>)
    %and3A_1082 = arith.constant 127 : i32
    %and3A_1083 = arith.andi %reduce_sum3A_941, %and3A_1082 : i32
    %broadcast_in_dim3A_1084 = vector.broadcast %and3A_1083 : i32 to vector<16xi32>
    %gather3A_1085 = arith.constant 2 : i32
    %gather3A_1086 = arith.constant 0 : i32
    %gather3A_1087 = arith.constant 0 : i32
    %gather3A_1088 = tpu.memref_slice %arg6[%gather3A_1085, %gather3A_1086, %gather3A_1087] : memref<4x16x128xf32, #tpu.memory_space<vmem>> -> memref<1x16x128xf32, #tpu.memory_space<vmem>>
    %gather3A_1089 = tpu.memref_squeeze %gather3A_1088 : memref<1x16x128xf32, #tpu.memory_space<vmem>> -> memref<16x128xf32, #tpu.memory_space<vmem>>
    %gather3A_1090 = tpu.vector_load_idx %gather3A_1089[%iota3A, %broadcast_in_dim3A_1084] : memref<16x128xf32, #tpu.memory_space<vmem>>[vector<16xi32>, vector<16xi32>], vector<16xf32>,
    %swap3A_1091 = arith.constant 18 : i32
    %swap3A_1092 = arith.index_cast %swap3A_1091 : i32 to index
    %swap3A_1093 = arith.constant 0 : index
    %swap3A_1094 = tpu.vector_load %arg7[%swap3A_1092, %swap3A_1093] {strides = array<i32>} : memref<24x16xf32, #tpu.memory_space<vmem>>, vector<16xf32>,
    tpu.vector_store %arg7[%swap3A_1092, %swap3A_1093], %gather3A_1090 {strides = array<i32>} : memref<24x16xf32, #tpu.memory_space<vmem>>, vector<16xf32>,
    %get3A_1095 = arith.constant 16 : index
    %get3A_1096 = tpu.vector_load %arg5[%get3A_1095] {strides = array<i32>} : memref<32xi32, #tpu.memory_space<vmem>>, vector<16xi32>,
    %eq3A_1097 = arith.constant 5 : i32
    %eq3A_1098 = vector.broadcast %eq3A_1097 : i32 to vector<16xi32>
    %eq3A_1099 = arith.cmpi eq, %iota3A_3, %eq3A_1098 : vector<16xi32>
    %jit3A_1100 = arith.constant 0 : i32
    %broadcast_in_dim3A_1101 = vector.broadcast %jit3A_1100 : i32 to vector<16xi32>
    %select_n3A_1102 = arith.select %eq3A_1099, %get3A_1096, %broadcast_in_dim3A_1101 : vector<16xi1>, vector<16xi32>
    %reduce_sum3A_1103 = arith.constant true
    %reduce_sum3A_1104 = vector.broadcast %reduce_sum3A_1103 : i1 to vector<16xi1>
    %reduce_sum3A_1105 = tpu.scan <sum>, %select_n3A_1102 masked %reduce_sum3A_1104 : vector<16xi32>, vector<16xi1> -> vector<16xi32>
    %reduce_sum3A_1106 = vector.extract %reduce_sum3A_1105[15] : i32 from vector<16xi32>
    %shift_right_arithmetic3A_1107 = arith.constant 7 : i32
    %shift_right_arithmetic3A_1108 = arith.shrsi %reduce_sum3A_1106, %shift_right_arithmetic3A_1107 : i32
    %mul3A_1109 = arith.constant 128 : i32
    %mul3A_1110 = arith.muli %shift_right_arithmetic3A_1108, %mul3A_1109 : i32
    %dma_start3A_1111 = arith.constant 1 : i32
    %dma_start3A_1112 = arith.constant 0 : i32
    %dma_start3A_1113 = arith.constant 0 : i32
    %dma_start3A_1114 = tpu.memref_slice %arg6[%dma_start3A_1111, %dma_start3A_1112, %dma_start3A_1113] : memref<4x16x128xf32, #tpu.memory_space<vmem>> -> memref<1x16x128xf32, #tpu.memory_space<vmem>>
    %dma_start3A_1115 = tpu.memref_squeeze %dma_start3A_1114 : memref<1x16x128xf32, #tpu.memory_space<vmem>> -> memref<16x128xf32, #tpu.memory_space<vmem>>
    %dma_start3A_1116 = arith.constant 0 : i32
    %dma_start3A_1117 = tpu.memref_slice %arg3[%dma_start3A_1116, %mul3A_1110] : memref<16x100000xf32, #tpu.memory_space<hbm>> -> memref<16x128xf32, #tpu.memory_space<hbm>>
    %dma_start3A_1118 = arith.constant 0 : i32
    %dma_start3A_1119 = arith.constant 0 : i32
    %dma_start3A_1120 = tpu.memref_slice %arg6[%dma_start3A_1111, %dma_start3A_1118, %dma_start3A_1119] : memref<4x16x128xf32, #tpu.memory_space<vmem>> -> memref<1x16x128xf32, #tpu.memory_space<vmem>>
    %dma_start3A_1121 = tpu.memref_squeeze %dma_start3A_1120 : memref<1x16x128xf32, #tpu.memory_space<vmem>> -> memref<16x128xf32, #tpu.memory_space<vmem>>
    %dma_start3A_1122 = arith.constant 0 : i32
    %dma_start3A_1123 = tpu.memref_slice %arg3[%dma_start3A_1122, %mul3A_1110] : memref<16x100000xf32, #tpu.memory_space<hbm>> -> memref<16x128xf32, #tpu.memory_space<hbm>>
    tpu.enqueue_dma source(%dma_start3A_1123 : memref<16x128xf32, #tpu.memory_space<hbm>>) target(%dma_start3A_1121 : memref<16x128xf32, #tpu.memory_space<vmem>>) target_semaphore(%arg9 : memref<!tpu.dma_semaphore, #tpu.memory_space<semaphore_mem>>)
    %dma_wait3A_1124 = arith.constant 3 : i32
    %dma_wait3A_1125 = arith.constant 0 : i32
    %dma_wait3A_1126 = arith.constant 0 : i32
    %dma_wait3A_1127 = tpu.memref_slice %arg6[%dma_wait3A_1124, %dma_wait3A_1125, %dma_wait3A_1126] : memref<4x16x128xf32, #tpu.memory_space<vmem>> -> memref<1x16x128xf32, #tpu.memory_space<vmem>>
    %dma_wait3A_1128 = tpu.memref_squeeze %dma_wait3A_1127 : memref<1x16x128xf32, #tpu.memory_space<vmem>> -> memref<16x128xf32, #tpu.memory_space<vmem>>
    %dma_wait3A_1129 = arith.constant 0 : i32
    %dma_wait3A_1130 = tpu.memref_slice %arg3[%dma_wait3A_1129, %mul3A_1000] : memref<16x100000xf32, #tpu.memory_space<hbm>> -> memref<16x128xf32, #tpu.memory_space<hbm>>
    %dma_wait3A_1131 = arith.constant 0 : i32
    %dma_wait3A_1132 = arith.constant 0 : i32
    %dma_wait3A_1133 = tpu.memref_slice %arg6[%dma_wait3A_1124, %dma_wait3A_1131, %dma_wait3A_1132] : memref<4x16x128xf32, #tpu.memory_space<vmem>> -> memref<1x16x128xf32, #tpu.memory_space<vmem>>
    %dma_wait3A_1134 = tpu.memref_squeeze %dma_wait3A_1133 : memref<1x16x128xf32, #tpu.memory_space<vmem>> -> memref<16x128xf32, #tpu.memory_space<vmem>>
    %dma_wait3A_1135 = arith.constant 0 : i32
    %dma_wait3A_1136 = tpu.memref_slice %arg3[%dma_wait3A_1135, %mul3A_1000] : memref<16x100000xf32, #tpu.memory_space<hbm>> -> memref<16x128xf32, #tpu.memory_space<hbm>>
    tpu.wait_dma2 semaphore(%arg11 : memref<!tpu.dma_semaphore, #tpu.memory_space<semaphore_mem>>) src(%dma_wait3A_1136 : memref<16x128xf32, #tpu.memory_space<hbm>>) dst(%dma_wait3A_1134 : memref<16x128xf32, #tpu.memory_space<vmem>>)
    %and3A_1137 = arith.constant 127 : i32
    %and3A_1138 = arith.andi %reduce_sum3A_996, %and3A_1137 : i32
    %broadcast_in_dim3A_1139 = vector.broadcast %and3A_1138 : i32 to vector<16xi32>
    %gather3A_1140 = arith.constant 3 : i32
    %gather3A_1141 = arith.constant 0 : i32
    %gather3A_1142 = arith.constant 0 : i32
    %gather3A_1143 = tpu.memref_slice %arg6[%gather3A_1140, %gather3A_1141, %gather3A_1142] : memref<4x16x128xf32, #tpu.memory_space<vmem>> -> memref<1x16x128xf32, #tpu.memory_space<vmem>>
    %gather3A_1144 = tpu.memref_squeeze %gather3A_1143 : memref<1x16x128xf32, #tpu.memory_space<vmem>> -> memref<16x128xf32, #tpu.memory_space<vmem>>
    %gather3A_1145 = tpu.vector_load_idx %gather3A_1144[%iota3A, %broadcast_in_dim3A_1139] : memref<16x128xf32, #tpu.memory_space<vmem>>[vector<16xi32>, vector<16xi32>], vector<16xf32>,
    %swap3A_1146 = arith.constant 19 : i32
    %swap3A_1147 = arith.index_cast %swap3A_1146 : i32 to index
    %swap3A_1148 = arith.constant 0 : index
    %swap3A_1149 = tpu.vector_load %arg7[%swap3A_1147, %swap3A_1148] {strides = array<i32>} : memref<24x16xf32, #tpu.memory_space<vmem>>, vector<16xf32>,
    tpu.vector_store %arg7[%swap3A_1147, %swap3A_1148], %gather3A_1145 {strides = array<i32>} : memref<24x16xf32, #tpu.memory_space<vmem>>, vector<16xf32>,
    %get3A_1150 = arith.constant 16 : index
    %get3A_1151 = tpu.vector_load %arg5[%get3A_1150] {strides = array<i32>} : memref<32xi32, #tpu.memory_space<vmem>>, vector<16xi32>,
    %eq3A_1152 = arith.constant 6 : i32
    %eq3A_1153 = vector.broadcast %eq3A_1152 : i32 to vector<16xi32>
    %eq3A_1154 = arith.cmpi eq, %iota3A_3, %eq3A_1153 : vector<16xi32>
    %jit3A_1155 = arith.constant 0 : i32
    %broadcast_in_dim3A_1156 = vector.broadcast %jit3A_1155 : i32 to vector<16xi32>
    %select_n3A_1157 = arith.select %eq3A_1154, %get3A_1151, %broadcast_in_dim3A_1156 : vector<16xi1>, vector<16xi32>
    %reduce_sum3A_1158 = arith.constant true
    %reduce_sum3A_1159 = vector.broadcast %reduce_sum3A_1158 : i1 to vector<16xi1>
    %reduce_sum3A_1160 = tpu.scan <sum>, %select_n3A_1157 masked %reduce_sum3A_1159 : vector<16xi32>, vector<16xi1> -> vector<16xi32>
    %reduce_sum3A_1161 = vector.extract %reduce_sum3A_1160[15] : i32 from vector<16xi32>
    %shift_right_arithmetic3A_1162 = arith.constant 7 : i32
    %shift_right_arithmetic3A_1163 = arith.shrsi %reduce_sum3A_1161, %shift_right_arithmetic3A_1162 : i32
    %mul3A_1164 = arith.constant 128 : i32
    %mul3A_1165 = arith.muli %shift_right_arithmetic3A_1163, %mul3A_1164 : i32
    %dma_start3A_1166 = arith.constant 2 : i32
    %dma_start3A_1167 = arith.constant 0 : i32
    %dma_start3A_1168 = arith.constant 0 : i32
    %dma_start3A_1169 = tpu.memref_slice %arg6[%dma_start3A_1166, %dma_start3A_1167, %dma_start3A_1168] : memref<4x16x128xf32, #tpu.memory_space<vmem>> -> memref<1x16x128xf32, #tpu.memory_space<vmem>>
    %dma_start3A_1170 = tpu.memref_squeeze %dma_start3A_1169 : memref<1x16x128xf32, #tpu.memory_space<vmem>> -> memref<16x128xf32, #tpu.memory_space<vmem>>
    %dma_start3A_1171 = arith.constant 0 : i32
    %dma_start3A_1172 = tpu.memref_slice %arg3[%dma_start3A_1171, %mul3A_1165] : memref<16x100000xf32, #tpu.memory_space<hbm>> -> memref<16x128xf32, #tpu.memory_space<hbm>>
    %dma_start3A_1173 = arith.constant 0 : i32
    %dma_start3A_1174 = arith.constant 0 : i32
    %dma_start3A_1175 = tpu.memref_slice %arg6[%dma_start3A_1166, %dma_start3A_1173, %dma_start3A_1174] : memref<4x16x128xf32, #tpu.memory_space<vmem>> -> memref<1x16x128xf32, #tpu.memory_space<vmem>>
    %dma_start3A_1176 = tpu.memref_squeeze %dma_start3A_1175 : memref<1x16x128xf32, #tpu.memory_space<vmem>> -> memref<16x128xf32, #tpu.memory_space<vmem>>
    %dma_start3A_1177 = arith.constant 0 : i32
    %dma_start3A_1178 = tpu.memref_slice %arg3[%dma_start3A_1177, %mul3A_1165] : memref<16x100000xf32, #tpu.memory_space<hbm>> -> memref<16x128xf32, #tpu.memory_space<hbm>>
    tpu.enqueue_dma source(%dma_start3A_1178 : memref<16x128xf32, #tpu.memory_space<hbm>>) target(%dma_start3A_1176 : memref<16x128xf32, #tpu.memory_space<vmem>>) target_semaphore(%arg10 : memref<!tpu.dma_semaphore, #tpu.memory_space<semaphore_mem>>)
    %dma_wait3A_1179 = arith.constant 0 : i32
    %dma_wait3A_1180 = arith.constant 0 : i32
    %dma_wait3A_1181 = arith.constant 0 : i32
    %dma_wait3A_1182 = tpu.memref_slice %arg6[%dma_wait3A_1179, %dma_wait3A_1180, %dma_wait3A_1181] : memref<4x16x128xf32, #tpu.memory_space<vmem>> -> memref<1x16x128xf32, #tpu.memory_space<vmem>>
    %dma_wait3A_1183 = tpu.memref_squeeze %dma_wait3A_1182 : memref<1x16x128xf32, #tpu.memory_space<vmem>> -> memref<16x128xf32, #tpu.memory_space<vmem>>
    %dma_wait3A_1184 = arith.constant 0 : i32
    %dma_wait3A_1185 = tpu.memref_slice %arg3[%dma_wait3A_1184, %mul3A_1055] : memref<16x100000xf32, #tpu.memory_space<hbm>> -> memref<16x128xf32, #tpu.memory_space<hbm>>
    %dma_wait3A_1186 = arith.constant 0 : i32
    %dma_wait3A_1187 = arith.constant 0 : i32
    %dma_wait3A_1188 = tpu.memref_slice %arg6[%dma_wait3A_1179, %dma_wait3A_1186, %dma_wait3A_1187] : memref<4x16x128xf32, #tpu.memory_space<vmem>> -> memref<1x16x128xf32, #tpu.memory_space<vmem>>
    %dma_wait3A_1189 = tpu.memref_squeeze %dma_wait3A_1188 : memref<1x16x128xf32, #tpu.memory_space<vmem>> -> memref<16x128xf32, #tpu.memory_space<vmem>>
    %dma_wait3A_1190 = arith.constant 0 : i32
    %dma_wait3A_1191 = tpu.memref_slice %arg3[%dma_wait3A_1190, %mul3A_1055] : memref<16x100000xf32, #tpu.memory_space<hbm>> -> memref<16x128xf32, #tpu.memory_space<hbm>>
    tpu.wait_dma2 semaphore(%arg8 : memref<!tpu.dma_semaphore, #tpu.memory_space<semaphore_mem>>) src(%dma_wait3A_1191 : memref<16x128xf32, #tpu.memory_space<hbm>>) dst(%dma_wait3A_1189 : memref<16x128xf32, #tpu.memory_space<vmem>>)
    %and3A_1192 = arith.constant 127 : i32
    %and3A_1193 = arith.andi %reduce_sum3A_1051, %and3A_1192 : i32
    %broadcast_in_dim3A_1194 = vector.broadcast %and3A_1193 : i32 to vector<16xi32>
    %gather3A_1195 = arith.constant 0 : i32
    %gather3A_1196 = arith.constant 0 : i32
    %gather3A_1197 = arith.constant 0 : i32
    %gather3A_1198 = tpu.memref_slice %arg6[%gather3A_1195, %gather3A_1196, %gather3A_1197] : memref<4x16x128xf32, #tpu.memory_space<vmem>> -> memref<1x16x128xf32, #tpu.memory_space<vmem>>
    %gather3A_1199 = tpu.memref_squeeze %gather3A_1198 : memref<1x16x128xf32, #tpu.memory_space<vmem>> -> memref<16x128xf32, #tpu.memory_space<vmem>>
    %gather3A_1200 = tpu.vector_load_idx %gather3A_1199[%iota3A, %broadcast_in_dim3A_1194] : memref<16x128xf32, #tpu.memory_space<vmem>>[vector<16xi32>, vector<16xi32>], vector<16xf32>,
    %swap3A_1201 = arith.constant 20 : i32
    %swap3A_1202 = arith.index_cast %swap3A_1201 : i32 to index
    %swap3A_1203 = arith.constant 0 : index
    %swap3A_1204 = tpu.vector_load %arg7[%swap3A_1202, %swap3A_1203] {strides = array<i32>} : memref<24x16xf32, #tpu.memory_space<vmem>>, vector<16xf32>,
    tpu.vector_store %arg7[%swap3A_1202, %swap3A_1203], %gather3A_1200 {strides = array<i32>} : memref<24x16xf32, #tpu.memory_space<vmem>>, vector<16xf32>,
    %get3A_1205 = arith.constant 16 : index
    %get3A_1206 = tpu.vector_load %arg5[%get3A_1205] {strides = array<i32>} : memref<32xi32, #tpu.memory_space<vmem>>, vector<16xi32>,
    %eq3A_1207 = arith.constant 7 : i32
    %eq3A_1208 = vector.broadcast %eq3A_1207 : i32 to vector<16xi32>
    %eq3A_1209 = arith.cmpi eq, %iota3A_3, %eq3A_1208 : vector<16xi32>
    %jit3A_1210 = arith.constant 0 : i32
    %broadcast_in_dim3A_1211 = vector.broadcast %jit3A_1210 : i32 to vector<16xi32>
    %select_n3A_1212 = arith.select %eq3A_1209, %get3A_1206, %broadcast_in_dim3A_1211 : vector<16xi1>, vector<16xi32>
    %reduce_sum3A_1213 = arith.constant true
    %reduce_sum3A_1214 = vector.broadcast %reduce_sum3A_1213 : i1 to vector<16xi1>
    %reduce_sum3A_1215 = tpu.scan <sum>, %select_n3A_1212 masked %reduce_sum3A_1214 : vector<16xi32>, vector<16xi1> -> vector<16xi32>
    %reduce_sum3A_1216 = vector.extract %reduce_sum3A_1215[15] : i32 from vector<16xi32>
    %shift_right_arithmetic3A_1217 = arith.constant 7 : i32
    %shift_right_arithmetic3A_1218 = arith.shrsi %reduce_sum3A_1216, %shift_right_arithmetic3A_1217 : i32
    %mul3A_1219 = arith.constant 128 : i32
    %mul3A_1220 = arith.muli %shift_right_arithmetic3A_1218, %mul3A_1219 : i32
    %dma_start3A_1221 = arith.constant 3 : i32
    %dma_start3A_1222 = arith.constant 0 : i32
    %dma_start3A_1223 = arith.constant 0 : i32
    %dma_start3A_1224 = tpu.memref_slice %arg6[%dma_start3A_1221, %dma_start3A_1222, %dma_start3A_1223] : memref<4x16x128xf32, #tpu.memory_space<vmem>> -> memref<1x16x128xf32, #tpu.memory_space<vmem>>
    %dma_start3A_1225 = tpu.memref_squeeze %dma_start3A_1224 : memref<1x16x128xf32, #tpu.memory_space<vmem>> -> memref<16x128xf32, #tpu.memory_space<vmem>>
    %dma_start3A_1226 = arith.constant 0 : i32
    %dma_start3A_1227 = tpu.memref_slice %arg3[%dma_start3A_1226, %mul3A_1220] : memref<16x100000xf32, #tpu.memory_space<hbm>> -> memref<16x128xf32, #tpu.memory_space<hbm>>
    %dma_start3A_1228 = arith.constant 0 : i32
    %dma_start3A_1229 = arith.constant 0 : i32
    %dma_start3A_1230 = tpu.memref_slice %arg6[%dma_start3A_1221, %dma_start3A_1228, %dma_start3A_1229] : memref<4x16x128xf32, #tpu.memory_space<vmem>> -> memref<1x16x128xf32, #tpu.memory_space<vmem>>
    %dma_start3A_1231 = tpu.memref_squeeze %dma_start3A_1230 : memref<1x16x128xf32, #tpu.memory_space<vmem>> -> memref<16x128xf32, #tpu.memory_space<vmem>>
    %dma_start3A_1232 = arith.constant 0 : i32
    %dma_start3A_1233 = tpu.memref_slice %arg3[%dma_start3A_1232, %mul3A_1220] : memref<16x100000xf32, #tpu.memory_space<hbm>> -> memref<16x128xf32, #tpu.memory_space<hbm>>
    tpu.enqueue_dma source(%dma_start3A_1233 : memref<16x128xf32, #tpu.memory_space<hbm>>) target(%dma_start3A_1231 : memref<16x128xf32, #tpu.memory_space<vmem>>) target_semaphore(%arg11 : memref<!tpu.dma_semaphore, #tpu.memory_space<semaphore_mem>>)
    %dma_wait3A_1234 = arith.constant 1 : i32
    %dma_wait3A_1235 = arith.constant 0 : i32
    %dma_wait3A_1236 = arith.constant 0 : i32
    %dma_wait3A_1237 = tpu.memref_slice %arg6[%dma_wait3A_1234, %dma_wait3A_1235, %dma_wait3A_1236] : memref<4x16x128xf32, #tpu.memory_space<vmem>> -> memref<1x16x128xf32, #tpu.memory_space<vmem>>
    %dma_wait3A_1238 = tpu.memref_squeeze %dma_wait3A_1237 : memref<1x16x128xf32, #tpu.memory_space<vmem>> -> memref<16x128xf32, #tpu.memory_space<vmem>>
    %dma_wait3A_1239 = arith.constant 0 : i32
    %dma_wait3A_1240 = tpu.memref_slice %arg3[%dma_wait3A_1239, %mul3A_1110] : memref<16x100000xf32, #tpu.memory_space<hbm>> -> memref<16x128xf32, #tpu.memory_space<hbm>>
    %dma_wait3A_1241 = arith.constant 0 : i32
    %dma_wait3A_1242 = arith.constant 0 : i32
    %dma_wait3A_1243 = tpu.memref_slice %arg6[%dma_wait3A_1234, %dma_wait3A_1241, %dma_wait3A_1242] : memref<4x16x128xf32, #tpu.memory_space<vmem>> -> memref<1x16x128xf32, #tpu.memory_space<vmem>>
    %dma_wait3A_1244 = tpu.memref_squeeze %dma_wait3A_1243 : memref<1x16x128xf32, #tpu.memory_space<vmem>> -> memref<16x128xf32, #tpu.memory_space<vmem>>
    %dma_wait3A_1245 = arith.constant 0 : i32
    %dma_wait3A_1246 = tpu.memref_slice %arg3[%dma_wait3A_1245, %mul3A_1110] : memref<16x100000xf32, #tpu.memory_space<hbm>> -> memref<16x128xf32, #tpu.memory_space<hbm>>
    tpu.wait_dma2 semaphore(%arg9 : memref<!tpu.dma_semaphore, #tpu.memory_space<semaphore_mem>>) src(%dma_wait3A_1246 : memref<16x128xf32, #tpu.memory_space<hbm>>) dst(%dma_wait3A_1244 : memref<16x128xf32, #tpu.memory_space<vmem>>)
    %and3A_1247 = arith.constant 127 : i32
    %and3A_1248 = arith.andi %reduce_sum3A_1106, %and3A_1247 : i32
    %broadcast_in_dim3A_1249 = vector.broadcast %and3A_1248 : i32 to vector<16xi32>
    %gather3A_1250 = arith.constant 1 : i32
    %gather3A_1251 = arith.constant 0 : i32
    %gather3A_1252 = arith.constant 0 : i32
    %gather3A_1253 = tpu.memref_slice %arg6[%gather3A_1250, %gather3A_1251, %gather3A_1252] : memref<4x16x128xf32, #tpu.memory_space<vmem>> -> memref<1x16x128xf32, #tpu.memory_space<vmem>>
    %gather3A_1254 = tpu.memref_squeeze %gather3A_1253 : memref<1x16x128xf32, #tpu.memory_space<vmem>> -> memref<16x128xf32, #tpu.memory_space<vmem>>
    %gather3A_1255 = tpu.vector_load_idx %gather3A_1254[%iota3A, %broadcast_in_dim3A_1249] : memref<16x128xf32, #tpu.memory_space<vmem>>[vector<16xi32>, vector<16xi32>], vector<16xf32>,
    %swap3A_1256 = arith.constant 21 : i32
    %swap3A_1257 = arith.index_cast %swap3A_1256 : i32 to index
    %swap3A_1258 = arith.constant 0 : index
    %swap3A_1259 = tpu.vector_load %arg7[%swap3A_1257, %swap3A_1258] {strides = array<i32>} : memref<24x16xf32, #tpu.memory_space<vmem>>, vector<16xf32>,
    tpu.vector_store %arg7[%swap3A_1257, %swap3A_1258], %gather3A_1255 {strides = array<i32>} : memref<24x16xf32, #tpu.memory_space<vmem>>, vector<16xf32>,
    %dma_wait3A_1260 = arith.constant 2 : i32
    %dma_wait3A_1261 = arith.constant 0 : i32
    %dma_wait3A_1262 = arith.constant 0 : i32
    %dma_wait3A_1263 = tpu.memref_slice %arg6[%dma_wait3A_1260, %dma_wait3A_1261, %dma_wait3A_1262] : memref<4x16x128xf32, #tpu.memory_space<vmem>> -> memref<1x16x128xf32, #tpu.memory_space<vmem>>
    %dma_wait3A_1264 = tpu.memref_squeeze %dma_wait3A_1263 : memref<1x16x128xf32, #tpu.memory_space<vmem>> -> memref<16x128xf32, #tpu.memory_space<vmem>>
    %dma_wait3A_1265 = arith.constant 0 : i32
    %dma_wait3A_1266 = tpu.memref_slice %arg3[%dma_wait3A_1265, %mul3A_1165] : memref<16x100000xf32, #tpu.memory_space<hbm>> -> memref<16x128xf32, #tpu.memory_space<hbm>>
    %dma_wait3A_1267 = arith.constant 0 : i32
    %dma_wait3A_1268 = arith.constant 0 : i32
    %dma_wait3A_1269 = tpu.memref_slice %arg6[%dma_wait3A_1260, %dma_wait3A_1267, %dma_wait3A_1268] : memref<4x16x128xf32, #tpu.memory_space<vmem>> -> memref<1x16x128xf32, #tpu.memory_space<vmem>>
    %dma_wait3A_1270 = tpu.memref_squeeze %dma_wait3A_1269 : memref<1x16x128xf32, #tpu.memory_space<vmem>> -> memref<16x128xf32, #tpu.memory_space<vmem>>
    %dma_wait3A_1271 = arith.constant 0 : i32
    %dma_wait3A_1272 = tpu.memref_slice %arg3[%dma_wait3A_1271, %mul3A_1165] : memref<16x100000xf32, #tpu.memory_space<hbm>> -> memref<16x128xf32, #tpu.memory_space<hbm>>
    tpu.wait_dma2 semaphore(%arg10 : memref<!tpu.dma_semaphore, #tpu.memory_space<semaphore_mem>>) src(%dma_wait3A_1272 : memref<16x128xf32, #tpu.memory_space<hbm>>) dst(%dma_wait3A_1270 : memref<16x128xf32, #tpu.memory_space<vmem>>)
    %and3A_1273 = arith.constant 127 : i32
    %and3A_1274 = arith.andi %reduce_sum3A_1161, %and3A_1273 : i32
    %broadcast_in_dim3A_1275 = vector.broadcast %and3A_1274 : i32 to vector<16xi32>
    %gather3A_1276 = arith.constant 2 : i32
    %gather3A_1277 = arith.constant 0 : i32
    %gather3A_1278 = arith.constant 0 : i32
    %gather3A_1279 = tpu.memref_slice %arg6[%gather3A_1276, %gather3A_1277, %gather3A_1278] : memref<4x16x128xf32, #tpu.memory_space<vmem>> -> memref<1x16x128xf32, #tpu.memory_space<vmem>>
    %gather3A_1280 = tpu.memref_squeeze %gather3A_1279 : memref<1x16x128xf32, #tpu.memory_space<vmem>> -> memref<16x128xf32, #tpu.memory_space<vmem>>
    %gather3A_1281 = tpu.vector_load_idx %gather3A_1280[%iota3A, %broadcast_in_dim3A_1275] : memref<16x128xf32, #tpu.memory_space<vmem>>[vector<16xi32>, vector<16xi32>], vector<16xf32>,
    %swap3A_1282 = arith.constant 22 : i32
    %swap3A_1283 = arith.index_cast %swap3A_1282 : i32 to index
    %swap3A_1284 = arith.constant 0 : index
    %swap3A_1285 = tpu.vector_load %arg7[%swap3A_1283, %swap3A_1284] {strides = array<i32>} : memref<24x16xf32, #tpu.memory_space<vmem>>, vector<16xf32>,
    tpu.vector_store %arg7[%swap3A_1283, %swap3A_1284], %gather3A_1281 {strides = array<i32>} : memref<24x16xf32, #tpu.memory_space<vmem>>, vector<16xf32>,
    %dma_wait3A_1286 = arith.constant 3 : i32
    %dma_wait3A_1287 = arith.constant 0 : i32
    %dma_wait3A_1288 = arith.constant 0 : i32
    %dma_wait3A_1289 = tpu.memref_slice %arg6[%dma_wait3A_1286, %dma_wait3A_1287, %dma_wait3A_1288] : memref<4x16x128xf32, #tpu.memory_space<vmem>> -> memref<1x16x128xf32, #tpu.memory_space<vmem>>
    %dma_wait3A_1290 = tpu.memref_squeeze %dma_wait3A_1289 : memref<1x16x128xf32, #tpu.memory_space<vmem>> -> memref<16x128xf32, #tpu.memory_space<vmem>>
    %dma_wait3A_1291 = arith.constant 0 : i32
    %dma_wait3A_1292 = tpu.memref_slice %arg3[%dma_wait3A_1291, %mul3A_1220] : memref<16x100000xf32, #tpu.memory_space<hbm>> -> memref<16x128xf32, #tpu.memory_space<hbm>>
    %dma_wait3A_1293 = arith.constant 0 : i32
    %dma_wait3A_1294 = arith.constant 0 : i32
    %dma_wait3A_1295 = tpu.memref_slice %arg6[%dma_wait3A_1286, %dma_wait3A_1293, %dma_wait3A_1294] : memref<4x16x128xf32, #tpu.memory_space<vmem>> -> memref<1x16x128xf32, #tpu.memory_space<vmem>>
    %dma_wait3A_1296 = tpu.memref_squeeze %dma_wait3A_1295 : memref<1x16x128xf32, #tpu.memory_space<vmem>> -> memref<16x128xf32, #tpu.memory_space<vmem>>
    %dma_wait3A_1297 = arith.constant 0 : i32
    %dma_wait3A_1298 = tpu.memref_slice %arg3[%dma_wait3A_1297, %mul3A_1220] : memref<16x100000xf32, #tpu.memory_space<hbm>> -> memref<16x128xf32, #tpu.memory_space<hbm>>
    tpu.wait_dma2 semaphore(%arg11 : memref<!tpu.dma_semaphore, #tpu.memory_space<semaphore_mem>>) src(%dma_wait3A_1298 : memref<16x128xf32, #tpu.memory_space<hbm>>) dst(%dma_wait3A_1296 : memref<16x128xf32, #tpu.memory_space<vmem>>)
    %and3A_1299 = arith.constant 127 : i32
    %and3A_1300 = arith.andi %reduce_sum3A_1216, %and3A_1299 : i32
    %broadcast_in_dim3A_1301 = vector.broadcast %and3A_1300 : i32 to vector<16xi32>
    %gather3A_1302 = arith.constant 3 : i32
    %gather3A_1303 = arith.constant 0 : i32
    %gather3A_1304 = arith.constant 0 : i32
    %gather3A_1305 = tpu.memref_slice %arg6[%gather3A_1302, %gather3A_1303, %gather3A_1304] : memref<4x16x128xf32, #tpu.memory_space<vmem>> -> memref<1x16x128xf32, #tpu.memory_space<vmem>>
    %gather3A_1306 = tpu.memref_squeeze %gather3A_1305 : memref<1x16x128xf32, #tpu.memory_space<vmem>> -> memref<16x128xf32, #tpu.memory_space<vmem>>
    %gather3A_1307 = tpu.vector_load_idx %gather3A_1306[%iota3A, %broadcast_in_dim3A_1301] : memref<16x128xf32, #tpu.memory_space<vmem>>[vector<16xi32>, vector<16xi32>], vector<16xf32>,
    %swap3A_1308 = arith.constant 23 : i32
    %swap3A_1309 = arith.index_cast %swap3A_1308 : i32 to index
    %swap3A_1310 = arith.constant 0 : index
    %swap3A_1311 = tpu.vector_load %arg7[%swap3A_1309, %swap3A_1310] {strides = array<i32>} : memref<24x16xf32, #tpu.memory_space<vmem>>, vector<16xf32>,
    tpu.vector_store %arg7[%swap3A_1309, %swap3A_1310], %gather3A_1307 {strides = array<i32>} : memref<24x16xf32, #tpu.memory_space<vmem>>, vector<16xf32>,
    "tpu.region"() ({
      %run_scoped3A = tpu.sem_alloc : memref<!tpu.dma_semaphore, #tpu.memory_space<semaphore_mem>>
      %dma_start3A_1312 = arith.constant 0 : i32
      %dma_start3A_1313 = tpu.memref_slice %arg4[%mul3A_2, %dma_start3A_1312] : memref<768x16xf32, #tpu.memory_space<hbm>> -> memref<24x16xf32, #tpu.memory_space<hbm>>
      %dma_start3A_1314 = arith.constant 0 : i32
      %dma_start3A_1315 = tpu.memref_slice %arg4[%mul3A_2, %dma_start3A_1314] : memref<768x16xf32, #tpu.memory_space<hbm>> -> memref<24x16xf32, #tpu.memory_space<hbm>>
      tpu.enqueue_dma source(%arg7 : memref<24x16xf32, #tpu.memory_space<vmem>>) target(%dma_start3A_1315 : memref<24x16xf32, #tpu.memory_space<hbm>>) target_semaphore(%run_scoped3A : memref<!tpu.dma_semaphore, #tpu.memory_space<semaphore_mem>>)
      %dma_wait3A_1316 = arith.constant 0 : i32
      %dma_wait3A_1317 = tpu.memref_slice %arg4[%mul3A_2, %dma_wait3A_1316] : memref<768x16xf32, #tpu.memory_space<hbm>> -> memref<24x16xf32, #tpu.memory_space<hbm>>
      %dma_wait3A_1318 = arith.constant 0 : i32
      %dma_wait3A_1319 = tpu.memref_slice %arg4[%mul3A_2, %dma_wait3A_1318] : memref<768x16xf32, #tpu.memory_space<hbm>> -> memref<24x16xf32, #tpu.memory_space<hbm>>
      tpu.wait_dma2 semaphore(%run_scoped3A : memref<!tpu.dma_semaphore, #tpu.memory_space<semaphore_mem>>) src(%arg7 : memref<24x16xf32, #tpu.memory_space<vmem>>) dst(%dma_wait3A_1319 : memref<24x16xf32, #tpu.memory_space<hbm>>)
      tpu.yield
    }) : () -> ()
    return
  }
}

module attributes {stable_mosaic.version = 14 : i64} {
  func.func @body(%arg0: i32, %arg1: memref<64x16xf32, #tpu.memory_space<vmem>>, %arg2: memref<64x16xf32, #tpu.memory_space<vmem>>, %arg3: memref<16x100000xf32, #tpu.memory_space<vmem>>, %arg4: memref<1x100000xf32, #tpu.memory_space<vmem>>, %arg5: memref<64x100000xf32, #tpu.memory_space<vmem>>) attributes {dimension_semantics = [#tpu.dimension_semantics<arbitrary>], iteration_bounds = array<i64: 10>, scalar_prefetch = 0 : i64, scratch_operands = 0 : i64, tpu.core_type = #tpu.core_type<tc>, window_params = [{transform_indices = @transform_0, window_bounds = array<i64: 64, 16>}, {transform_indices = @transform_1, window_bounds = array<i64: 64, 16>}, {pipeline_mode = #tpu.pipeline_mode<synchronous>, transform_indices = @transform_2, window_bounds = array<i64: 16, 100000>}, {pipeline_mode = #tpu.pipeline_mode<synchronous>, transform_indices = @transform_3, window_bounds = array<i64: 1, 100000>}, {transform_indices = @transform_4, window_bounds = array<i64: 64, 100000>}]} {
    %get3A = arith.constant 0 : index
    %get3A_0 = arith.constant 0 : index
    %get3A_1 = vector.load %arg1[%get3A, %get3A_0] : memref<64x16xf32, #tpu.memory_space<vmem>>, vector<64x16xf32>
    %get3A_2 = arith.constant 0 : index
    %get3A_3 = arith.constant 0 : index
    %get3A_4 = vector.load %arg2[%get3A_2, %get3A_3] : memref<64x16xf32, #tpu.memory_space<vmem>>, vector<64x16xf32>
    %add3A = arith.addf %get3A_1, %get3A_4 : vector<64x16xf32>
    %get3A_5 = arith.constant 0 : index
    %get3A_6 = arith.constant 0 : index
    %get3A_7 = vector.load %arg3[%get3A_5, %get3A_6] : memref<16x100000xf32, #tpu.memory_space<vmem>>, vector<16x100000xf32>
    %dot_general3A = arith.constant dense<0.000000e+00> : vector<64x100000xf32>
    %dot_general3A_8 = tpu.matmul %add3A, %get3A_7, %dot_general3A {dimension_numbers = #tpu.dot_dimension_numbers<[1], [0], [0], [1], [0, 0, 1, 1], [], []>, transpose_lhs_hint = false} : vector<64x16xf32>, vector<16x100000xf32>, vector<64x100000xf32> -> vector<64x100000xf32>
    %get3A_9 = arith.constant 0 : index
    %get3A_10 = arith.constant 0 : index
    %get3A_11 = vector.load %arg4[%get3A_9, %get3A_10] : memref<1x100000xf32, #tpu.memory_space<vmem>>, vector<1x100000xf32>
    %add3A_12 = vector.broadcast %get3A_11 : vector<1x100000xf32> to vector<64x100000xf32>
    %add3A_13 = arith.addf %dot_general3A_8, %add3A_12 : vector<64x100000xf32>
    %swap3A = arith.constant 0 : index
    %swap3A_14 = arith.constant 0 : index
    %swap3A_15 = vector.load %arg5[%swap3A, %swap3A_14] : memref<64x100000xf32, #tpu.memory_space<vmem>>, vector<64x100000xf32>
    tpu.vector_store %arg5[%swap3A, %swap3A_14], %add3A_13 {strides = array<i32>} : memref<64x100000xf32, #tpu.memory_space<vmem>>, vector<64x100000xf32>,
    return
  }
  func.func @transform_0(%arg0: i32) -> (i32, i32) {
    %c0_i32 = arith.constant 0 : i32
    %c0_i32_0 = arith.constant 0 : i32
    return %arg0, %c0_i32 : i32, i32
  }
  func.func @transform_1(%arg0: i32) -> (i32, i32) {
    %c0_i32 = arith.constant 0 : i32
    %c0_i32_0 = arith.constant 0 : i32
    return %arg0, %c0_i32 : i32, i32
  }
  func.func @transform_2(%arg0: i32) -> (i32, i32) {
    %c0_i32 = arith.constant 0 : i32
    %c0_i32_0 = arith.constant 0 : i32
    %c0_i32_1 = arith.constant 0 : i32
    return %c0_i32, %c0_i32_0 : i32, i32
  }
  func.func @transform_3(%arg0: i32) -> (i32, i32) {
    %c0_i32 = arith.constant 0 : i32
    %c0_i32_0 = arith.constant 0 : i32
    %c0_i32_1 = arith.constant 0 : i32
    return %c0_i32, %c0_i32_0 : i32, i32
  }
  func.func @transform_4(%arg0: i32) -> (i32, i32) {
    %c0_i32 = arith.constant 0 : i32
    %c0_i32_0 = arith.constant 0 : i32
    return %arg0, %c0_i32 : i32, i32
  }
}

</mosaic_0001>

<sc_bundles>
// kernel: kernel.4.cloned.1.call-start
scs
__scs_entry_jumppad:
0x0: {  	(pc) =	sbr.rel $0x88, $3  }
0x1: {  	(tag) =	ssettag $0x0;
	lr =	simm.s32 $0x1  }
0x2: {  	[smem:$0x3F9C] =	sst lr;
	_ =	strace $0xD0000000  }
0x3: {  	_ = 	snop  }
0x4: {  	_ = 	snop  }
0x5: {  	_ = 	snop  }
0x6: {  	_ = 	snop  }
0x7: {  	_ = 	snop  }
__scs_overlays_trampoline_lowered:
0x8: {  	[smem:$0x3FAB] =	sst s0  }
0x9: {  	[smem:$0x3FAC] =	sst s1  }
0xa: {  	[smem:$0x3FAD] =	sst s2  }
0xb: {  	[smem:$0x3FAE] =	sst s3  }
0xc: {  	[smem:$0x3FAF] =	sst s4  }
0xd: {  	[smem:$0x3FB0] =	sst s5  }
0xe: {  	[smem:$0x3FB1] =	sst s6  }
0xf: {  	[smem:$0x3FB2] =	sst s7  }
0x10: {  	[smem:$0x3FB3] =	sst s8  }
0x11: {  	[smem:$0x3FB4] =	sst s9;
	s0 =	simm.s32 @!p0 $0x0  }
0x12: {  	s1 =	sld [smem:$0x3F9A];
	s0 =	simm.s32 @p0 $0x1  }
0x13: {  	[smem:$0x3FB5] =	sst s0;
	s0 =	simm.s32 @!p1 $0x0  }
0x14: {  	s2 =	sld [smem:$0x3F99];
	s0 =	simm.s32 @p1 $0x1  }
0x15: {  	[smem:$0x3FB6] =	sst s0;
	s0 =	simm.s32 @!p2 $0x0  }
0x16: {  	s3 =	sld [smem:$0x3FDB];
	s0 =	simm.s32 @p2 $0x1  }
0x17: {  	s4 =	simm.s32 $0x1BF5;
	[smem:$0x3FB8] =	sst s0  }
0x18: {  	s0 =	sld [smem:$0x3F9B];
	_ =	swait.ge [sflag:s4], $0x0  }
0x19: {  	s7 =	sld [smem:$0x3F9C]  }
0x1a: {  	s8 =	sadd.s32 $0xFFFFE003, lr  }
0x1b: {  	s9 =	sadd.s32 $0xFFFFFEF7, lr;
	s5 =	simm.s32 $0xFFFFFFFF;
	p2 =	slt.u32 s8, $0xFFFFF086  }
0x1c: {  	p1 =	slt.u32 s9, $0xF7A;
	s5 =	simm.s32 @!p2 $0x0  }
0x1d: {  	s5 =	simm.s32 @p1 $0x1;
	p0 =	seq.s32 s7, s2  }
0x1e: {  	s7 =	smul.u32 @!p0 $0xF7A, s2;
	p2 =	seq.s32 @!p0 s5, $0x0  }
0x1f: {  	s9 =	smul.u32 $0xF7A, s1;
	s8 =	simm.s32 @!p0 $0x1BF5;
	p2 =	por !p2, p0  }
0x20: {  	[sflag:s8] =	ssyncset.s32 @!p0 $0xFFFFF086;
	s6 =	sadd.s32 @!p0 s3, s7;
	s7 =	simm.s32 @!p0 $0x108  }
0x21: {  	s3 =	sadd.s32 s3, s9;
	s6 =	sadd.s32 @!p0 $0x88, s6;
	s7 =	simm.s32 @p2 $0x1082  }
0x22: {  	[simem:s7], [sflag:s8] =	dma.local @!p0 [hbm:s6], $0xF7A  }
0x23: {  	s9 =	sor.u32 $0xD0000000, s2;
	s6 =	simm.s32 $0x108;
	_ =	swait.ge @!p0 [sflag:s8], $0x0  }
0x24: {  	s3 =	sadd.s32 $0x88, s3;
	s6 =	simm.s32 @!p1 $0x1082;
	[sflag:s4] =	ssyncset.s32 $0xFFFFF086  }
0x25: {  	[simem:s6], [sflag:s4] =	dma.local [hbm:s3], $0xF7A  }
0x26: {  	[smem:$0x3F9C] =	sst s1;
	(tag) =	ssettag s2;
	_ =	strace s9  }
0x27: {  	s1 =	sld [smem:$0x3FAC]  }
0x28: {  	s2 =	sld [smem:$0x3FAD]  }
0x29: {  	s4 =	sld [smem:$0x3FAF]  }
0x2a: {  	p0 =	seq.s32 s5, $0x0;
	s5 =	sld [smem:$0x3FB0]  }
0x2b: {  	s6 =	sld [smem:$0x3FB1]  }
0x2c: {  	s7 =	sld [smem:$0x3FB2]  }
0x2d: {  	s3 =	simm.s32 $0x108;
	s8 =	sld [smem:$0x3FB3]  }
0x2e: {  	s3 =	simm.s32 @!p0 $0x1082;
	s9 =	sld [smem:$0x3FB4]  }
0x2f: {  	lr =	sadd.s32 s0, s3;
	s0 =	sld [smem:$0x3FAB]  }
0x30: {  	s3 =	sld [smem:$0x3FAE]  }
0x31: {  	[smem:$0x3FB7] =	sst s10  }
0x32: {  	s10 =	sld [smem:$0x3FB5];
	_ =	sdelay $0x3  }
0x33: {  	p0 =	seq.s32 s10, $0x1;
	s10 =	sld [smem:$0x3FB7];
	_ =	sdelay $0x3  }
0x34: {  	[smem:$0x3FB7] =	sst s10  }
0x35: {  	s10 =	sld [smem:$0x3FB6];
	_ =	sdelay $0x3  }
0x36: {  	p1 =	seq.s32 s10, $0x1;
	s10 =	sld [smem:$0x3FB7];
	_ =	sdelay $0x3  }
0x37: {  	[smem:$0x3FB7] =	sst s10  }
0x38: {  	s10 =	sld [smem:$0x3FB8]  }
0x39: {  	_ = 	snop;
	(pc) =	sbr.ind lr, $3  }
0x3a: {  	_ = 	snop  }
0x3b: {  	_ = 	snop  }
0x3c: {  	p2 =	seq.s32 s10, $0x1;
	s10 =	sld [smem:$0x3FB7]  }
0x3d: {  	_ =	shalt  }
0x3e: {  	_ =	shalt  }
0x3f: {  	_ =	shalt  }
0x40: {  	_ =	shalt  }
0x41: {  	_ =	shalt  }
0x42: {  	_ =	shalt  }
0x43: {  	_ =	shalt  }
0x44: {  	_ =	shalt  }
0x45: {  	_ =	shalt  }
0x46: {  	_ =	shalt  }
0x47: {  	_ =	shalt  }
0x48: {  	_ =	shalt  }
0x49: {  	_ =	shalt  }
0x4a: {  	_ =	shalt  }
0x4b: {  	_ =	shalt  }
0x4c: {  	_ =	shalt  }
0x4d: {  	_ =	shalt  }
0x4e: {  	_ =	shalt  }
0x4f: {  	_ =	shalt  }
0x50: {  	_ =	shalt  }
0x51: {  	_ =	shalt  }
0x52: {  	_ =	shalt  }
0x53: {  	_ =	shalt  }
0x54: {  	_ =	shalt  }
0x55: {  	_ =	shalt  }
0x56: {  	_ =	shalt  }
0x57: {  	_ =	shalt  }
0x58: {  	_ =	shalt  }
0x59: {  	_ =	shalt  }
0x5a: {  	_ =	shalt  }
0x5b: {  	_ =	shalt  }
0x5c: {  	_ =	shalt  }
0x5d: {  	_ =	shalt  }
0x5e: {  	_ =	shalt  }
0x5f: {  	_ =	shalt  }
0x60: {  	_ =	shalt  }
0x61: {  	_ =	shalt  }
0x62: {  	_ =	shalt  }
0x63: {  	_ =	shalt  }
0x64: {  	_ =	shalt  }
0x65: {  	_ =	shalt  }
0x66: {  	_ =	shalt  }
0x67: {  	_ =	shalt  }
0x68: {  	_ =	shalt  }
0x69: {  	_ =	shalt  }
0x6a: {  	_ =	shalt  }
0x6b: {  	_ =	shalt  }
0x6c: {  	_ =	shalt  }
0x6d: {  	_ =	shalt  }
0x6e: {  	_ =	shalt  }
0x6f: {  	_ =	shalt  }
0x70: {  	_ =	shalt  }
0x71: {  	_ =	shalt  }
0x72: {  	_ =	shalt  }
0x73: {  	_ =	shalt  }
0x74: {  	_ =	shalt  }
0x75: {  	_ =	shalt  }
0x76: {  	_ =	shalt  }
0x77: {  	_ =	shalt  }
0x78: {  	_ =	shalt  }
0x79: {  	_ =	shalt  }
0x7a: {  	_ =	shalt  }
0x7b: {  	_ =	shalt  }
0x7c: {  	_ =	shalt  }
0x7d: {  	_ =	shalt  }
0x7e: {  	_ =	shalt  }
0x7f: {  	_ =	shalt  }
0x80: {  	_ =	shalt  }
0x81: {  	_ =	shalt  }
0x82: {  	_ =	shalt  }
0x83: {  	_ =	shalt  }
0x84: {  	_ =	shalt  }
0x85: {  	_ =	shalt  }
0x86: {  	_ =	shalt  }
0x87: {  	_ =	shalt  }
.Lfunc_end0:
.L_simem_size_0:
called_computation_lowered:
.L_overlay_start_0:
0x88: {  	s2 =	sld [smem:$0x3FD9]  }
0x89: {  	s3 =	sld [smem:$0x3FFE];
	_ =	sdelay $0x1  }
0x8a: {  	s1 =	srdreg.scid  }
0x8b: {  	s0 =	sand.u32 $0x1, s1  }
0x8c: {  	s17 =	sshll.u32 s0, $0xA;
	s2 =	sadd.s32 s3, s2  }
0x8d: {  	s2 =	sadd.s32 s2, s17  }
0x8e: {  	[smem:$0x3FC3] =	sst s2  }
0x8f: {  	_ = 	snop  }
0x90: {  	s2 =	sld [smem:$0x3FC8]  }
0x91: {  	s18 =	sld [smem:$0x3FD0];
	(tm) =	ssettm $0x1  }
0x92: {  	s4 =	sld [smem:$0x3FFB];
	_ =	sdelay $0x3  }
0x93: {  	_ =	strace s4  }
0x94: {  	s4 =	sld [smem:$0x3FFC];
	_ =	sdelay $0x3  }
0x95: {  	_ =	strace s4  }
0x96: {  	s4 =	sld [smem:$0x3FFD];
	_ =	sdelay $0x3  }
0x97: {  	_ =	strace s4  }
0x98: {  	_ =	strace $0x8FFFFFFF  }
0x99: {  	s19 =	sld [smem:$0x3FDB];
	_ =	sdelay $0x1  }
0x9a: {  	s5 =	simm.s32 $_scs_section_size  }
0x9b: {  	s6 =	simm.s32 $_size__tile_overlayer_lowered;
	s7 =	simm.s32 $_tile_overlayer_lowered  }
0x9c: {  	s22 =	simm.s32 $0x1BFF;
	s21 =	sshll.u32 s7, $0x1;
	s4 =	sadd.s32 s5, s19  }
0x9d: {  	s8 =	simm.s32 $0x0;
	s20 =	sshll.u32 s6, $0x1;
	s6 =	sadd.s32 s21, s4  }
0x9e: {  	[timem:s8], [sflag:s22] =	dma.local [hbm:s6], s20  }
0x9f: {  	_ =	swait.ge [sflag:s22], s20  }
0xa0: {  	s5 =	ssub.s32 $0x0, s20;
	[sflag:s22] =	ssyncset.done $0x0  }
0xa1: {  	[sflag:s22] =	ssyncadd.s32 s5;
	_ =	sdelay $0x1  }
0xa2: {  	s23 =	simm.s32 $0x1B8B  }
0xa3: {  	_ =	swait.ge [sflag:s23], $0x1  }
0xa4: {  	[sflag:s23] =	ssyncset.done $0x0  }
0xa5: {  	s25 =	simm.s32 $0x1B8E;
	s24 =	sld [smem:$0x3FFE];
	[sflag:s23] =	ssyncadd.s32 $0xFFFFFFFF  }
0xa6: {  	s26 =	simm.s32 $execute0_lowered;
	[smem:$0x3FD2] =	sst s25  }
0xa7: {  	s6 =	sshll.u32 s26, $0x1;
	_ =	strace $0x80000046;
	[dreg:$0x1] =	wrdreg $0xFFFFFFFF  }
0xa8: {  	s28 =	simm.s32 $_size_execute0_lowered;
	s4 =	sadd.s32 s4, s6;
	[dreg:$0x0] =	wrdreg $0x0  }
0xa9: {  	s6 =	sshll.u32 s28, $0x1;
	[dreg:$0x2] =	wrdreg s4  }
0xaa: {  	[dreg:$0x3] =	wrdreg s6  }
0xab: {  	[dreg:$0x4] =	wrdreg $0xC0  }
0xac: {  	_ =	task [dreg:s8], $0x5FFFF  }
0xad: {  	[dreg:$0x1] =	wrdreg $0xFFFFFFFF  }
0xae: {  	[dreg:$0x0] =	wrdreg $0x60  }
0xaf: {  	[dreg:$0x2] =	wrdreg s18  }
0xb0: {  	[dreg:$0x3] =	wrdreg s2  }
0xb1: {  	[dreg:$0x4] =	wrdreg s24  }
0xb2: {  	[dreg:$0x5] =	wrdreg $0x9  }
0xb3: {  	_ =	task.clear_ibuf [dreg:s8], $0x6FFFF;
	_ =	strace $0x90000046  }
0xb4: {  	s29 =	simm.s32 $0x9;
	_ =	strace $0x80000048  }
0xb5: {  	_ =	swait.ge [sflag:s29], $0x1  }
0xb6: {  	[sflag:s29] =	ssyncadd.s32 $0xFFFFFFFF  }
0xb7: {  	_ =	strace $0x90000048  }
0xb8: {  	_ =	sfence  }
0xb9: {  	s30 =	sld [smem:$0x0];
	_ =	sdelay $0x2  }
0xba: {  	s31 =	sshll.u32 s1, $0xD;
	s1 =	sshrl.u32 s1, $0x2  }
0xbb: {  	s3 =	sand.u32 $0x4000, s31;
	s1 =	sadd.s32 s1, s30  }
0xbc: {  	s0 =	sor.u32 s3, s0;
	s1 =	sshll.u32 s1, $0x11  }
0xbd: {  	s0 =	sor.u32 s1, s0  }
0xbe: {  	s0 =	sadd.s32 $0x8F2B, s0  }
0xbf: {  	[sflag:s0] =	ssyncadd.remote.s32 $0x1  }
0xc0: {  	_ =	sfence.sel $0xFFFF  }
0xc1: {  	[dreg:$0x0] =	wrdreg $0xFFFFFFFF;
	(pc) =	sbr.abs _section_cstart, $3  }
0xc2: {  	[dreg:$0x1] =	wrdreg $0xFFFFFFFF  }
0xc3: {  	_ =	task.clear_ibuf [dreg:s8], $0x2FFFF;
	_ =	strace $0x9FFFFFFF  }
0xc4: {  	(tm) =	ssettm $0x7FFFFFFF  }
0xc5: {  	_ =	shalt  }
tec
execute0_lowered:
.L_overlay_start_1:
0x0: {  	(tag) =	ssettag $0x1  }
0x1: {  	s4 =	rddreg [dreg:$0x0]  }
0x2: {  	s1 =	srdreg.scid;
	s2 =	rddreg [dreg:$0x1]  }
0x3: {  	s0 =	stileid.u32;
	s6 =	rddreg [dreg:$0x2];
	s3 =	simm.s32 $0x0  }
0x4: {  	s9 =	simm.s32 $0x880;
	s10 =	simm.s32 $0x1080;
	s11 =	simm.s32 $0x1  }
0x5: {  	s12 =	simm.s32 $0x1880;
	s13 =	simm.s32 $0x2;
	s16 =	simm.s32 $0x2080  }
0x6: {  	s14 =	simm.s32 $0x3;
	s5 =	sand.u32 $0x1, s1;
	s29 =	sshll.u32 s0, $0x1  }
0x7: {  	s15 =	simm.s32 $0x4;
	s1 =	rddreg [dreg:$0x3];
	s7 =	sor.u32 s5, s29  }
0x8: {  	vm0 =	vmmov $0x1;
	vm1 =	vcmask $0x308;
	v0 =	vlaneseq.u32;
	[smem:$0x7FF] =	sst s3;
	s5 =	ssub.s32 $0x2, s5;
	s8 =	smul.u32 $0x180, s7  }
0x9: {  	vm2 =	vcmask $0x70C;
	vm3 =	vcmask $0xB10;
	vm4 =	vcmask $0xF14;
	_ =	strace $0x80000047;
	s7 =	smul.u32 $0x3, s7;
	s30 =	sshrl.u32 s5, $0x1  }
0xa: {  	vm5 =	vcmask $0x1318;
	vm6 =	vcmask $0x171C;
	vm7 =	vcmask $0x1B20;
	[dreg:$0x6] =	wrdreg s16;
	s5 =	ssub.s32 s5, s30;
	s6 =	sadd.s32 s8, s6  }
0xb: {  	vm8 =	vcmask $0x1F24;
	vm9 =	vcmask $0x2328;
	vm10 =	vcmask $0x272C;
	s4 =	sadd.s32 s4, s7;
	s7 =	simm.s32 $0xC3800;
	s8 =	simm.s32 $0x80  }
0xc: {  	vm11 =	vcmask $0x2B30;
	vm12 =	vcmask $0x2F34;
	vm13 =	vcmask $0x3338;
	[dreg:$0x4] =	wrdreg s4;
	s31 =	sadd.s32 $0x800, s6;
	s4 =	smax.u32 s5, $0x1  }
0xd: {  	vm14 =	vcmask $0x373C;
	vm15 =	vmmov $0x7fff;
	v0 =	vmul.u32 $0x80, v0;
	s5 =	simm.s32 $0x5;
	s6 =	simm.s32 $0x400;
	[dreg:$0x5] =	wrdreg s31  }
.LBB2_1:
0xe: {  	s16 =	rddreg [dreg:$0x4]  }
0xf: {  	[tilespmem:s3], [sflag:$0x5] =	stream.linear.gather [hbm4b:s16+s3], $0x18, $0x38;
	[tilespmem:$0x2C80] =	vst v63  }
0x10: {  	_ =	swait.ge [sflag:s5], $0x18  }
0x11: {  	[sflag:s5] =	ssyncset.done $0x0  }
0x12: {  	[sflag:s5] =	ssyncadd.s32 $0xFFFFFFE8  }
0x13: {  	v1 =	vld [tilespmem:$0x0];
	_ =	sdelay $0x4  }
0x14: {  	v1 =	vnsel vm0, $0x0, v1  }
0x15: {  	(xrf0) =	vadd.scan.msk.s32 $0xffff, v1;
	_ =	sdelay $0x5  }
0x16: {  	v1, _, _ =	vpop (xrf0)  }
0x17: {  	(v2sf) =	vpush v1, $0xF;
	_ =	sdelay $0xe  }
0x18: {  	s26 =	spop (v2sf)  }
0x19: {  	s17 =	sand.u32 $0xFFFFF80, s26  }
0x1a: {  	s17 =	sadd.s32 s2, s17  }
0x1b: {  	[tilespmem:s8], [sflag:$0x1] =	stream.strided.gather [hbm4b:s17+s6], $0x800, s7, s6, $0x38;
	[tilespmem:$0x2C80] =	vst v63  }
0x1c: {  	v1 =	vld [tilespmem:$0x0];
	_ =	sdelay $0x4  }
0x1d: {  	v1 =	vsel vm1, $0x0, v1  }
0x1e: {  	(xrf0) =	vadd.scan.msk.s32 $0xffff, v1;
	_ =	sdelay $0x5  }
0x1f: {  	v1, _, _ =	vpop (xrf0)  }
0x20: {  	(v2sf) =	vpush v1, $0xF;
	_ =	sdelay $0xe  }
0x21: {  	s28 =	spop (v2sf)  }
0x22: {  	s18 =	sand.u32 $0xFFFFF80, s28  }
0x23: {  	s18 =	sadd.s32 s2, s18  }
0x24: {  	[tilespmem:s9], [sflag:$0x2] =	stream.strided.gather [hbm4b:s18+s6], $0x800, s7, s6, $0x38;
	[tilespmem:$0x2C80] =	vst v63  }
0x25: {  	v1 =	vld [tilespmem:$0x0];
	_ =	sdelay $0x4  }
0x26: {  	v1 =	vsel vm2, $0x0, v1  }
0x27: {  	(xrf0) =	vadd.scan.msk.s32 $0xffff, v1;
	_ =	sdelay $0x5  }
0x28: {  	v1, _, _ =	vpop (xrf0)  }
0x29: {  	(v2sf) =	vpush v1, $0xF;
	_ =	sdelay $0xe  }
0x2a: {  	s29 =	spop (v2sf)  }
0x2b: {  	s19 =	sand.u32 $0xFFFFF80, s29  }
0x2c: {  	s19 =	sadd.s32 s2, s19  }
0x2d: {  	[tilespmem:s10], [sflag:$0x3] =	stream.strided.gather [hbm4b:s19+s6], $0x800, s7, s6, $0x38;
	[tilespmem:$0x2C80] =	vst v63  }
0x2e: {  	_ =	swait.ge [sflag:s11], $0x800  }
0x2f: {  	[sflag:s11] =	ssyncset.done $0x0  }
0x30: {  	[sflag:s11] =	ssyncadd.s32 $0xFFFFF800  }
0x31: {  	v1 =	vld [tilespmem:$0x0];
	_ =	sdelay $0x4  }
0x32: {  	v1 =	vsel vm3, $0x0, v1  }
0x33: {  	(xrf0) =	vadd.scan.msk.s32 $0xffff, v1;
	_ =	sdelay $0x5  }
0x34: {  	v1, _, _ =	vpop (xrf0)  }
0x35: {  	(v2sf) =	vpush v1, $0xF;
	_ =	sdelay $0x5  }
0x36: {  	s16 =	sand.u32 $0x7F, s26  }
0x37: {  	v1 =	vor.u32 s16, v0;
	_ =	sdelay $0x4  }
0x38: {  	v1 =	vld.idx.msk [tilespmem:v1+s8+$0x0], $0xffff;
	_ =	sdelay $0x2  }
0x39: {  	s30 =	spop (v2sf)  }
0x3a: {  	s31 =	sand.u32 $0xFFFFF80, s30  }
0x3b: {  	[tilespmem:$0x2080] =	vst v1;
	s19 =	sadd.s32 s2, s31  }
0x3c: {  	[tilespmem:s12], [sflag:$0x4] =	stream.strided.gather [hbm4b:s19+s6], $0x800, s7, s6, $0x38;
	[tilespmem:$0x2C80] =	vst v63  }
0x3d: {  	_ =	swait.ge [sflag:s13], $0x800  }
0x3e: {  	[sflag:s13] =	ssyncset.done $0x0  }
0x3f: {  	[sflag:s13] =	ssyncadd.s32 $0xFFFFF800  }
0x40: {  	v1 =	vld [tilespmem:$0x0];
	_ =	sdelay $0x4  }
0x41: {  	v1 =	vsel vm4, $0x0, v1  }
0x42: {  	(xrf0) =	vadd.scan.msk.s32 $0xffff, v1;
	_ =	sdelay $0x5  }
0x43: {  	v1, _, _ =	vpop (xrf0)  }
0x44: {  	(v2sf) =	vpush v1, $0xF;
	_ =	sdelay $0x5  }
0x45: {  	s17 =	sand.u32 $0x7F, s28  }
0x46: {  	v1 =	vor.u32 s17, v0;
	_ =	sdelay $0x4  }
0x47: {  	v1 =	vld.idx.msk [tilespmem:v1+s9+$0x0], $0xffff;
	_ =	sdelay $0x2  }
0x48: {  	s20 =	spop (v2sf)  }
0x49: {  	s21 =	sand.u32 $0xFFFFF80, s20  }
0x4a: {  	[tilespmem:$0x2100] =	vst v1;
	s19 =	sadd.s32 s2, s21  }
0x4b: {  	[tilespmem:s8], [sflag:$0x1] =	stream.strided.gather [hbm4b:s19+s6], $0x800, s7, s6, $0x38;
	[tilespmem:$0x2C80] =	vst v63  }
0x4c: {  	_ =	swait.ge [sflag:s14], $0x800  }
0x4d: {  	[sflag:s14] =	ssyncset.done $0x0  }
0x4e: {  	[sflag:s14] =	ssyncadd.s32 $0xFFFFF800  }
0x4f: {  	v1 =	vld [tilespmem:$0x0];
	_ =	sdelay $0x4  }
0x50: {  	v1 =	vsel vm5, $0x0, v1  }
0x51: {  	(xrf0) =	vadd.scan.msk.s32 $0xffff, v1;
	_ =	sdelay $0x5  }
0x52: {  	v1, _, _ =	vpop (xrf0)  }
0x53: {  	(v2sf) =	vpush v1, $0xF;
	_ =	sdelay $0x5  }
0x54: {  	s18 =	sand.u32 $0x7F, s29  }
0x55: {  	v1 =	vor.u32 s18, v0;
	_ =	sdelay $0x4  }
0x56: {  	v1 =	vld.idx.msk [tilespmem:v1+s10+$0x0], $0xffff;
	_ =	sdelay $0x2  }
0x57: {  	s22 =	spop (v2sf)  }
0x58: {  	s23 =	sand.u32 $0xFFFFF80, s22  }
0x59: {  	[tilespmem:$0x2180] =	vst v1;
	s19 =	sadd.s32 s2, s23  }
0x5a: {  	[tilespmem:s9], [sflag:$0x2] =	stream.strided.gather [hbm4b:s19+s6], $0x800, s7, s6, $0x38;
	[tilespmem:$0x2C80] =	vst v63  }
0x5b: {  	_ =	swait.ge [sflag:s15], $0x800  }
0x5c: {  	[sflag:s15] =	ssyncset.done $0x0  }
0x5d: {  	[sflag:s15] =	ssyncadd.s32 $0xFFFFF800  }
0x5e: {  	v1 =	vld [tilespmem:$0x0];
	_ =	sdelay $0x4  }
0x5f: {  	v1 =	vsel vm6, $0x0, v1  }
0x60: {  	(xrf0) =	vadd.scan.msk.s32 $0xffff, v1;
	_ =	sdelay $0x5  }
0x61: {  	v1, _, _ =	vpop (xrf0)  }
0x62: {  	(v2sf) =	vpush v1, $0xF;
	_ =	sdelay $0x5  }
0x63: {  	s16 =	sand.u32 $0x7F, s30  }
0x64: {  	v1 =	vor.u32 s16, v0;
	_ =	sdelay $0x4  }
0x65: {  	v1 =	vld.idx.msk [tilespmem:v1+s12+$0x0], $0xffff;
	_ =	sdelay $0x2  }
0x66: {  	s24 =	spop (v2sf)  }
0x67: {  	s25 =	sand.u32 $0xFFFFF80, s24  }
0x68: {  	[tilespmem:$0x2200] =	vst v1;
	s19 =	sadd.s32 s2, s25  }
0x69: {  	[tilespmem:s10], [sflag:$0x3] =	stream.strided.gather [hbm4b:s19+s6], $0x800, s7, s6, $0x38;
	[tilespmem:$0x2C80] =	vst v63  }
0x6a: {  	_ =	swait.ge [sflag:s11], $0x800  }
0x6b: {  	[sflag:s11] =	ssyncset.done $0x0  }
0x6c: {  	[sflag:s11] =	ssyncadd.s32 $0xFFFFF800  }
0x6d: {  	v1 =	vld [tilespmem:$0x0];
	_ =	sdelay $0x4  }
0x6e: {  	v1 =	vsel vm7, $0x0, v1  }
0x6f: {  	(xrf0) =	vadd.scan.msk.s32 $0xffff, v1;
	_ =	sdelay $0x5  }
0x70: {  	v1, _, _ =	vpop (xrf0)  }
0x71: {  	(v2sf) =	vpush v1, $0xF;
	_ =	sdelay $0x5  }
0x72: {  	s17 =	sand.u32 $0x7F, s20  }
0x73: {  	v1 =	vor.u32 s17, v0;
	_ =	sdelay $0x4  }
0x74: {  	v1 =	vld.idx.msk [tilespmem:v1+s8+$0x0], $0xffff;
	_ =	sdelay $0x2  }
0x75: {  	s26 =	spop (v2sf)  }
0x76: {  	s28 =	sand.u32 $0xFFFFF80, s26  }
0x77: {  	[tilespmem:$0x2280] =	vst v1;
	s19 =	sadd.s32 s2, s28  }
0x78: {  	[tilespmem:s12], [sflag:$0x4] =	stream.strided.gather [hbm4b:s19+s6], $0x800, s7, s6, $0x38;
	[tilespmem:$0x2C80] =	vst v63  }
0x79: {  	_ =	swait.ge [sflag:s13], $0x800  }
0x7a: {  	[sflag:s13] =	ssyncset.done $0x0  }
0x7b: {  	[sflag:s13] =	ssyncadd.s32 $0xFFFFF800  }
0x7c: {  	v1 =	vld [tilespmem:$0x0];
	_ =	sdelay $0x4  }
0x7d: {  	v1 =	vsel vm8, $0x0, v1  }
0x7e: {  	(xrf0) =	vadd.scan.msk.s32 $0xffff, v1;
	_ =	sdelay $0x5  }
0x7f: {  	v1, _, _ =	vpop (xrf0)  }
0x80: {  	(v2sf) =	vpush v1, $0xF;
	_ =	sdelay $0x5  }
0x81: {  	s18 =	sand.u32 $0x7F, s22  }
0x82: {  	v1 =	vor.u32 s18, v0;
	_ =	sdelay $0x4  }
0x83: {  	v1 =	vld.idx.msk [tilespmem:v1+s9+$0x0], $0xffff;
	_ =	sdelay $0x2  }
0x84: {  	s29 =	spop (v2sf)  }
0x85: {  	s30 =	sand.u32 $0xFFFFF80, s29  }
0x86: {  	[tilespmem:$0x2300] =	vst v1;
	s19 =	sadd.s32 s2, s30  }
0x87: {  	[tilespmem:s8], [sflag:$0x1] =	stream.strided.gather [hbm4b:s19+s6], $0x800, s7, s6, $0x38;
	[tilespmem:$0x2C80] =	vst v63  }
0x88: {  	_ =	swait.ge [sflag:s14], $0x800  }
0x89: {  	[sflag:s14] =	ssyncset.done $0x0  }
0x8a: {  	[sflag:s14] =	ssyncadd.s32 $0xFFFFF800  }
0x8b: {  	v1 =	vld [tilespmem:$0x0];
	_ =	sdelay $0x4  }
0x8c: {  	v1 =	vsel vm9, $0x0, v1  }
0x8d: {  	(xrf0) =	vadd.scan.msk.s32 $0xffff, v1;
	_ =	sdelay $0x5  }
0x8e: {  	v1, _, _ =	vpop (xrf0)  }
0x8f: {  	(v2sf) =	vpush v1, $0xF;
	_ =	sdelay $0x5  }
0x90: {  	s16 =	sand.u32 $0x7F, s24  }
0x91: {  	v1 =	vor.u32 s16, v0;
	_ =	sdelay $0x4  }
0x92: {  	v1 =	vld.idx.msk [tilespmem:v1+s10+$0x0], $0xffff;
	_ =	sdelay $0x2  }
0x93: {  	s31 =	spop (v2sf)  }
0x94: {  	s20 =	sand.u32 $0xFFFFF80, s31  }
0x95: {  	[tilespmem:$0x2380] =	vst v1;
	s19 =	sadd.s32 s2, s20  }
0x96: {  	[tilespmem:s9], [sflag:$0x2] =	stream.strided.gather [hbm4b:s19+s6], $0x800, s7, s6, $0x38;
	[tilespmem:$0x2C80] =	vst v63  }
0x97: {  	_ =	swait.ge [sflag:s15], $0x800  }
0x98: {  	[sflag:s15] =	ssyncset.done $0x0  }
0x99: {  	[sflag:s15] =	ssyncadd.s32 $0xFFFFF800  }
0x9a: {  	v1 =	vld [tilespmem:$0x0];
	_ =	sdelay $0x4  }
0x9b: {  	v1 =	vsel vm10, $0x0, v1  }
0x9c: {  	(xrf0) =	vadd.scan.msk.s32 $0xffff, v1;
	_ =	sdelay $0x5  }
0x9d: {  	v1, _, _ =	vpop (xrf0)  }
0x9e: {  	(v2sf) =	vpush v1, $0xF;
	_ =	sdelay $0x5  }
0x9f: {  	s17 =	sand.u32 $0x7F, s26  }
0xa0: {  	v1 =	vor.u32 s17, v0;
	_ =	sdelay $0x4  }
0xa1: {  	v1 =	vld.idx.msk [tilespmem:v1+s12+$0x0], $0xffff;
	_ =	sdelay $0x2  }
0xa2: {  	s21 =	spop (v2sf)  }
0xa3: {  	s22 =	sand.u32 $0xFFFFF80, s21  }
0xa4: {  	[tilespmem:$0x2400] =	vst v1;
	s19 =	sadd.s32 s2, s22  }
0xa5: {  	[tilespmem:s10], [sflag:$0x3] =	stream.strided.gather [hbm4b:s19+s6], $0x800, s7, s6, $0x38;
	[tilespmem:$0x2C80] =	vst v63  }
0xa6: {  	_ =	swait.ge [sflag:s11], $0x800  }
0xa7: {  	[sflag:s11] =	ssyncset.done $0x0  }
0xa8: {  	[sflag:s11] =	ssyncadd.s32 $0xFFFFF800  }
0xa9: {  	v1 =	vld [tilespmem:$0x0];
	_ =	sdelay $0x4  }
0xaa: {  	v1 =	vsel vm11, $0x0, v1  }
0xab: {  	(xrf0) =	vadd.scan.msk.s32 $0xffff, v1;
	_ =	sdelay $0x5  }
0xac: {  	v1, _, _ =	vpop (xrf0)  }
0xad: {  	(v2sf) =	vpush v1, $0xF;
	_ =	sdelay $0x5  }
0xae: {  	s18 =	sand.u32 $0x7F, s29  }
0xaf: {  	v1 =	vor.u32 s18, v0;
	_ =	sdelay $0x4  }
0xb0: {  	v1 =	vld.idx.msk [tilespmem:v1+s8+$0x0], $0xffff;
	_ =	sdelay $0x2  }
0xb1: {  	s23 =	spop (v2sf)  }
0xb2: {  	s24 =	sand.u32 $0xFFFFF80, s23  }
0xb3: {  	[tilespmem:$0x2480] =	vst v1;
	s19 =	sadd.s32 s2, s24  }
0xb4: {  	[tilespmem:s12], [sflag:$0x4] =	stream.strided.gather [hbm4b:s19+s6], $0x800, s7, s6, $0x38;
	[tilespmem:$0x2C80] =	vst v63  }
0xb5: {  	_ =	swait.ge [sflag:s13], $0x800  }
0xb6: {  	[sflag:s13] =	ssyncset.done $0x0  }
0xb7: {  	[sflag:s13] =	ssyncadd.s32 $0xFFFFF800  }
0xb8: {  	v1 =	vld [tilespmem:$0x0];
	_ =	sdelay $0x4  }
0xb9: {  	v1 =	vsel vm12, $0x0, v1  }
0xba: {  	(xrf0) =	vadd.scan.msk.s32 $0xffff, v1;
	_ =	sdelay $0x5  }
0xbb: {  	v1, _, _ =	vpop (xrf0)  }
0xbc: {  	(v2sf) =	vpush v1, $0xF;
	_ =	sdelay $0x5  }
0xbd: {  	s16 =	sand.u32 $0x7F, s31  }
0xbe: {  	v1 =	vor.u32 s16, v0;
	_ =	sdelay $0x4  }
0xbf: {  	v1 =	vld.idx.msk [tilespmem:v1+s9+$0x0], $0xffff;
	_ =	sdelay $0x2  }
0xc0: {  	s25 =	spop (v2sf)  }
0xc1: {  	s26 =	sand.u32 $0xFFFFF80, s25  }
0xc2: {  	[tilespmem:$0x2500] =	vst v1;
	s19 =	sadd.s32 s2, s26  }
0xc3: {  	[tilespmem:s8], [sflag:$0x1] =	stream.strided.gather [hbm4b:s19+s6], $0x800, s7, s6, $0x38;
	[tilespmem:$0x2C80] =	vst v63  }
0xc4: {  	_ =	swait.ge [sflag:s14], $0x800  }
0xc5: {  	[sflag:s14] =	ssyncset.done $0x0  }
0xc6: {  	[sflag:s14] =	ssyncadd.s32 $0xFFFFF800  }
0xc7: {  	v1 =	vld [tilespmem:$0x0];
	_ =	sdelay $0x4  }
0xc8: {  	v1 =	vsel vm13, $0x0, v1  }
0xc9: {  	(xrf0) =	vadd.scan.msk.s32 $0xffff, v1;
	_ =	sdelay $0x5  }
0xca: {  	v1, _, _ =	vpop (xrf0)  }
0xcb: {  	(v2sf) =	vpush v1, $0xF;
	_ =	sdelay $0x5  }
0xcc: {  	s17 =	sand.u32 $0x7F, s21  }
0xcd: {  	v1 =	vor.u32 s17, v0;
	_ =	sdelay $0x4  }
0xce: {  	v1 =	vld.idx.msk [tilespmem:v1+s10+$0x0], $0xffff;
	_ =	sdelay $0x2  }
0xcf: {  	s28 =	spop (v2sf)  }
0xd0: {  	s29 =	sand.u32 $0xFFFFF80, s28  }
0xd1: {  	[tilespmem:$0x2580] =	vst v1;
	s19 =	sadd.s32 s2, s29  }
0xd2: {  	[tilespmem:s9], [sflag:$0x2] =	stream.strided.gather [hbm4b:s19+s6], $0x800, s7, s6, $0x38;
	[tilespmem:$0x2C80] =	vst v63  }
0xd3: {  	_ =	swait.ge [sflag:s15], $0x800  }
0xd4: {  	[sflag:s15] =	ssyncset.done $0x0  }
0xd5: {  	[sflag:s15] =	ssyncadd.s32 $0xFFFFF800  }
0xd6: {  	v1 =	vld [tilespmem:$0x0];
	_ =	sdelay $0x4  }
0xd7: {  	v1 =	vsel vm14, $0x0, v1  }
0xd8: {  	(xrf0) =	vadd.scan.msk.s32 $0xffff, v1;
	_ =	sdelay $0x5  }
0xd9: {  	v1, _, _ =	vpop (xrf0)  }
0xda: {  	(v2sf) =	vpush v1, $0xF;
	_ =	sdelay $0x5  }
0xdb: {  	s18 =	sand.u32 $0x7F, s23  }
0xdc: {  	v1 =	vor.u32 s18, v0;
	_ =	sdelay $0x4  }
0xdd: {  	v1 =	vld.idx.msk [tilespmem:v1+s12+$0x0], $0xffff;
	_ =	sdelay $0x2  }
0xde: {  	s30 =	spop (v2sf)  }
0xdf: {  	s31 =	sand.u32 $0xFFFFF80, s30  }
0xe0: {  	[tilespmem:$0x2600] =	vst v1;
	s19 =	sadd.s32 s2, s31  }
0xe1: {  	[tilespmem:s10], [sflag:$0x3] =	stream.strided.gather [hbm4b:s19+s6], $0x800, s7, s6, $0x38;
	[tilespmem:$0x2C80] =	vst v63  }
0xe2: {  	_ =	swait.ge [sflag:s11], $0x800  }
0xe3: {  	[sflag:s11] =	ssyncset.done $0x0  }
0xe4: {  	[sflag:s11] =	ssyncadd.s32 $0xFFFFF800  }
0xe5: {  	v1 =	vld [tilespmem:$0x0];
	_ =	sdelay $0x4  }
0xe6: {  	v1 =	vsel vm15, $0x0, v1  }
0xe7: {  	(xrf0) =	vadd.scan.msk.s32 $0xffff, v1;
	_ =	sdelay $0x5  }
0xe8: {  	v1, _, _ =	vpop (xrf0)  }
0xe9: {  	(v2sf) =	vpush v1, $0xF;
	_ =	sdelay $0x5  }
0xea: {  	s16 =	sand.u32 $0x7F, s25  }
0xeb: {  	v1 =	vor.u32 s16, v0;
	_ =	sdelay $0x4  }
0xec: {  	v1 =	vld.idx.msk [tilespmem:v1+s8+$0x0], $0xffff;
	_ =	sdelay $0x2  }
0xed: {  	s20 =	spop (v2sf)  }
0xee: {  	s21 =	sand.u32 $0xFFFFF80, s20  }
0xef: {  	[tilespmem:$0x2680] =	vst v1;
	s19 =	sadd.s32 s2, s21  }
0xf0: {  	[tilespmem:s12], [sflag:$0x4] =	stream.strided.gather [hbm4b:s19+s6], $0x800, s7, s6, $0x38;
	[tilespmem:$0x2C80] =	vst v63  }
0xf1: {  	_ =	swait.ge [sflag:s13], $0x800  }
0xf2: {  	[sflag:s13] =	ssyncset.done $0x0  }
0xf3: {  	[sflag:s13] =	ssyncadd.s32 $0xFFFFF800  }
0xf4: {  	v1 =	vld [tilespmem:$0x10];
	_ =	sdelay $0x4  }
0xf5: {  	v1 =	vnsel vm0, $0x0, v1  }
0xf6: {  	(xrf0) =	vadd.scan.msk.s32 $0xffff, v1;
	_ =	sdelay $0x5  }
0xf7: {  	v1, _, _ =	vpop (xrf0)  }
0xf8: {  	(v2sf) =	vpush v1, $0xF;
	_ =	sdelay $0x5  }
0xf9: {  	s17 =	sand.u32 $0x7F, s28  }
0xfa: {  	v1 =	vor.u32 s17, v0;
	_ =	sdelay $0x4  }
0xfb: {  	v1 =	vld.idx.msk [tilespmem:v1+s9+$0x0], $0xffff;
	_ =	sdelay $0x2  }
0xfc: {  	s22 =	spop (v2sf)  }
0xfd: {  	s23 =	sand.u32 $0xFFFFF80, s22  }
0xfe: {  	[tilespmem:$0x2700] =	vst v1;
	s19 =	sadd.s32 s2, s23  }
0xff: {  	[tilespmem:s8], [sflag:$0x1] =	stream.strided.gather [hbm4b:s19+s6], $0x800, s7, s6, $0x38;
	[tilespmem:$0x2C80] =	vst v63  }
0x100: {  	_ =	swait.ge [sflag:s14], $0x800  }
0x101: {  	[sflag:s14] =	ssyncset.done $0x0  }
0x102: {  	[sflag:s14] =	ssyncadd.s32 $0xFFFFF800  }
0x103: {  	v1 =	vld [tilespmem:$0x10];
	_ =	sdelay $0x4  }
0x104: {  	v1 =	vsel vm1, $0x0, v1  }
0x105: {  	(xrf0) =	vadd.scan.msk.s32 $0xffff, v1;
	_ =	sdelay $0x5  }
0x106: {  	v1, _, _ =	vpop (xrf0)  }
0x107: {  	(v2sf) =	vpush v1, $0xF;
	_ =	sdelay $0x5  }
0x108: {  	s18 =	sand.u32 $0x7F, s30  }
0x109: {  	v1 =	vor.u32 s18, v0;
	_ =	sdelay $0x4  }
0x10a: {  	v1 =	vld.idx.msk [tilespmem:v1+s10+$0x0], $0xffff;
	_ =	sdelay $0x2  }
0x10b: {  	s24 =	spop (v2sf)  }
0x10c: {  	s25 =	sand.u32 $0xFFFFF80, s24  }
0x10d: {  	[tilespmem:$0x2780] =	vst v1;
	s19 =	sadd.s32 s2, s25  }
0x10e: {  	[tilespmem:s9], [sflag:$0x2] =	stream.strided.gather [hbm4b:s19+s6], $0x800, s7, s6, $0x38;
	[tilespmem:$0x2C80] =	vst v63  }
0x10f: {  	_ =	swait.ge [sflag:s15], $0x800  }
0x110: {  	[sflag:s15] =	ssyncset.done $0x0  }
0x111: {  	[sflag:s15] =	ssyncadd.s32 $0xFFFFF800  }
0x112: {  	v1 =	vld [tilespmem:$0x10];
	_ =	sdelay $0x4  }
0x113: {  	v1 =	vsel vm2, $0x0, v1  }
0x114: {  	(xrf0) =	vadd.scan.msk.s32 $0xffff, v1;
	_ =	sdelay $0x5  }
0x115: {  	v1, _, _ =	vpop (xrf0)  }
0x116: {  	(v2sf) =	vpush v1, $0xF;
	_ =	sdelay $0x5  }
0x117: {  	s16 =	sand.u32 $0x7F, s20  }
0x118: {  	v1 =	vor.u32 s16, v0;
	_ =	sdelay $0x4  }
0x119: {  	v1 =	vld.idx.msk [tilespmem:v1+s12+$0x0], $0xffff;
	_ =	sdelay $0x2  }
0x11a: {  	s26 =	spop (v2sf)  }
0x11b: {  	s28 =	sand.u32 $0xFFFFF80, s26  }
0x11c: {  	[tilespmem:$0x2800] =	vst v1;
	s19 =	sadd.s32 s2, s28  }
0x11d: {  	[tilespmem:s10], [sflag:$0x3] =	stream.strided.gather [hbm4b:s19+s6], $0x800, s7, s6, $0x38;
	[tilespmem:$0x2C80] =	vst v63  }
0x11e: {  	_ =	swait.ge [sflag:s11], $0x800  }
0x11f: {  	[sflag:s11] =	ssyncset.done $0x0  }
0x120: {  	[sflag:s11] =	ssyncadd.s32 $0xFFFFF800  }
0x121: {  	v1 =	vld [tilespmem:$0x10];
	_ =	sdelay $0x4  }
0x122: {  	v1 =	vsel vm3, $0x0, v1  }
0x123: {  	(xrf0) =	vadd.scan.msk.s32 $0xffff, v1;
	_ =	sdelay $0x5  }
0x124: {  	v1, _, _ =	vpop (xrf0)  }
0x125: {  	(v2sf) =	vpush v1, $0xF;
	_ =	sdelay $0x5  }
0x126: {  	s17 =	sand.u32 $0x7F, s22  }
0x127: {  	v1 =	vor.u32 s17, v0;
	_ =	sdelay $0x4  }
0x128: {  	v1 =	vld.idx.msk [tilespmem:v1+s8+$0x0], $0xffff;
	_ =	sdelay $0x2  }
0x129: {  	s29 =	spop (v2sf)  }
0x12a: {  	s30 =	sand.u32 $0xFFFFF80, s29  }
0x12b: {  	[tilespmem:$0x2880] =	vst v1;
	s19 =	sadd.s32 s2, s30  }
0x12c: {  	[tilespmem:s12], [sflag:$0x4] =	stream.strided.gather [hbm4b:s19+s6], $0x800, s7, s6, $0x38;
	[tilespmem:$0x2C80] =	vst v63  }
0x12d: {  	_ =	swait.ge [sflag:s13], $0x800  }
0x12e: {  	[sflag:s13] =	ssyncset.done $0x0  }
0x12f: {  	[sflag:s13] =	ssyncadd.s32 $0xFFFFF800  }
0x130: {  	v1 =	vld [tilespmem:$0x10];
	_ =	sdelay $0x4  }
0x131: {  	v1 =	vsel vm4, $0x0, v1  }
0x132: {  	(xrf0) =	vadd.scan.msk.s32 $0xffff, v1;
	_ =	sdelay $0x5  }
0x133: {  	v1, _, _ =	vpop (xrf0)  }
0x134: {  	(v2sf) =	vpush v1, $0xF;
	_ =	sdelay $0x5  }
0x135: {  	s18 =	sand.u32 $0x7F, s24  }
0x136: {  	v1 =	vor.u32 s18, v0;
	_ =	sdelay $0x4  }
0x137: {  	v1 =	vld.idx.msk [tilespmem:v1+s9+$0x0], $0xffff;
	_ =	sdelay $0x2  }
0x138: {  	s31 =	spop (v2sf)  }
0x139: {  	s20 =	sand.u32 $0xFFFFF80, s31  }
0x13a: {  	[tilespmem:$0x2900] =	vst v1;
	s19 =	sadd.s32 s2, s20  }
0x13b: {  	[tilespmem:s8], [sflag:$0x1] =	stream.strided.gather [hbm4b:s19+s6], $0x800, s7, s6, $0x38;
	[tilespmem:$0x2C80] =	vst v63  }
0x13c: {  	_ =	swait.ge [sflag:s14], $0x800  }
0x13d: {  	[sflag:s14] =	ssyncset.done $0x0  }
0x13e: {  	[sflag:s14] =	ssyncadd.s32 $0xFFFFF800  }
0x13f: {  	v1 =	vld [tilespmem:$0x10];
	_ =	sdelay $0x4  }
0x140: {  	v1 =	vsel vm5, $0x0, v1  }
0x141: {  	(xrf0) =	vadd.scan.msk.s32 $0xffff, v1;
	_ =	sdelay $0x5  }
0x142: {  	v1, _, _ =	vpop (xrf0)  }
0x143: {  	(v2sf) =	vpush v1, $0xF;
	_ =	sdelay $0x5  }
0x144: {  	s16 =	sand.u32 $0x7F, s26  }
0x145: {  	v1 =	vor.u32 s16, v0;
	_ =	sdelay $0x4  }
0x146: {  	v1 =	vld.idx.msk [tilespmem:v1+s10+$0x0], $0xffff;
	_ =	sdelay $0x2  }
0x147: {  	s21 =	spop (v2sf)  }
0x148: {  	s22 =	sand.u32 $0xFFFFF80, s21  }
0x149: {  	[tilespmem:$0x2980] =	vst v1;
	s19 =	sadd.s32 s2, s22  }
0x14a: {  	[tilespmem:s9], [sflag:$0x2] =	stream.strided.gather [hbm4b:s19+s6], $0x800, s7, s6, $0x38;
	[tilespmem:$0x2C80] =	vst v63  }
0x14b: {  	_ =	swait.ge [sflag:s15], $0x800  }
0x14c: {  	[sflag:s15] =	ssyncset.done $0x0  }
0x14d: {  	[sflag:s15] =	ssyncadd.s32 $0xFFFFF800  }
0x14e: {  	v1 =	vld [tilespmem:$0x10];
	_ =	sdelay $0x4  }
0x14f: {  	v1 =	vsel vm6, $0x0, v1  }
0x150: {  	(xrf0) =	vadd.scan.msk.s32 $0xffff, v1;
	_ =	sdelay $0x5  }
0x151: {  	v1, _, _ =	vpop (xrf0)  }
0x152: {  	(v2sf) =	vpush v1, $0xF;
	_ =	sdelay $0x5  }
0x153: {  	s17 =	sand.u32 $0x7F, s29  }
0x154: {  	v1 =	vor.u32 s17, v0;
	_ =	sdelay $0x4  }
0x155: {  	v1 =	vld.idx.msk [tilespmem:v1+s12+$0x0], $0xffff;
	_ =	sdelay $0x2  }
0x156: {  	s23 =	spop (v2sf)  }
0x157: {  	s24 =	sand.u32 $0xFFFFF80, s23  }
0x158: {  	[tilespmem:$0x2A00] =	vst v1;
	s19 =	sadd.s32 s2, s24  }
0x159: {  	[tilespmem:s10], [sflag:$0x3] =	stream.strided.gather [hbm4b:s19+s6], $0x800, s7, s6, $0x38;
	[tilespmem:$0x2C80] =	vst v63  }
0x15a: {  	_ =	swait.ge [sflag:s11], $0x800  }
0x15b: {  	[sflag:s11] =	ssyncset.done $0x0  }
0x15c: {  	[sflag:s11] =	ssyncadd.s32 $0xFFFFF800  }
0x15d: {  	v1 =	vld [tilespmem:$0x10];
	_ =	sdelay $0x4  }
0x15e: {  	v1 =	vsel vm7, $0x0, v1  }
0x15f: {  	(xrf0) =	vadd.scan.msk.s32 $0xffff, v1;
	_ =	sdelay $0x5  }
0x160: {  	v1, _, _ =	vpop (xrf0)  }
0x161: {  	(v2sf) =	vpush v1, $0xF;
	_ =	sdelay $0x5  }
0x162: {  	s18 =	sand.u32 $0x7F, s31  }
0x163: {  	v1 =	vor.u32 s18, v0;
	_ =	sdelay $0x4  }
0x164: {  	v1 =	vld.idx.msk [tilespmem:v1+s8+$0x0], $0xffff;
	_ =	sdelay $0x2  }
0x165: {  	s25 =	spop (v2sf)  }
0x166: {  	s16 =	sand.u32 $0x7F, s21;
	s26 =	sand.u32 $0xFFFFF80, s25  }
0x167: {  	[tilespmem:$0x2A80] =	vst v1;
	v1 =	vor.u32 s16, v0;
	s19 =	sadd.s32 s2, s26  }
0x168: {  	[tilespmem:s12], [sflag:$0x4] =	stream.strided.gather [hbm4b:s19+s6], $0x800, s7, s6, $0x38;
	[tilespmem:$0x2C80] =	vst v63  }
0x169: {  	_ =	swait.ge [sflag:s13], $0x800  }
0x16a: {  	[sflag:s13] =	ssyncset.done $0x0  }
0x16b: {  	[sflag:s13] =	ssyncadd.s32 $0xFFFFF800  }
0x16c: {  	v1 =	vld.idx.msk [tilespmem:v1+s9+$0x0], $0xffff;
	_ =	sdelay $0x2  }
0x16d: {  	s28 =	sand.u32 $0x7F, s23  }
0x16e: {  	v2 =	vor.u32 s28, v0  }
0x16f: {  	[tilespmem:$0x2B00] =	vst v1  }
0x170: {  	_ =	swait.ge [sflag:s14], $0x800  }
0x171: {  	[sflag:s14] =	ssyncset.done $0x0  }
0x172: {  	[sflag:s14] =	ssyncadd.s32 $0xFFFFF800  }
0x173: {  	v1 =	vld.idx.msk [tilespmem:v2+s10+$0x0], $0xffff;
	_ =	sdelay $0x2  }
0x174: {  	s29 =	sand.u32 $0x7F, s25  }
0x175: {  	v2 =	vor.u32 s29, v0  }
0x176: {  	[tilespmem:$0x2B80] =	vst v1  }
0x177: {  	_ =	swait.ge [sflag:s15], $0x800  }
0x178: {  	[sflag:s15] =	ssyncset.done $0x0  }
0x179: {  	[sflag:s15] =	ssyncadd.s32 $0xFFFFF800  }
0x17a: {  	v1 =	vld.idx.msk [tilespmem:v2+s12+$0x0], $0xffff;
	_ =	sdelay $0x3  }
0x17b: {  	p0 =	sne.s32 s4, $0x1;
	s30 =	rddreg [dreg:$0x5]  }
.Ltmp0:
0x17c: {  	s31 =	rddreg [dreg:$0x6];
	[tilespmem:$0x2C00] =	vst v1;
	(pc) =	sbr.rel @p0 .LBB2_1-.Ltmp0, $4  }
0x17d: {  	[hbm4b:s30+s3] =	stream.linear.scatter [tilespmem:s31], [sflag:$0x5], $0xC00, $0x38;
	[tilespmem:$0x2C80] =	vst v63  }
0x17e: {  	_ =	swait.ge [sflag:s5], $0xC00  }
0x17f: {  	[sflag:s5] =	ssyncset.done $0x0  }
0x180: {  	s4 =	sadd.s32 $0xFFFFFFFF, s4;
	[sflag:s5] =	ssyncadd.s32 $0xFFFFF400  }
0x181: {  	_ =	sfence.sel $0x180000  }
0x182: {  	[bflag:$0x0] =	sbarrier.arrive $0xFFFF  }
0x183: {  	p0 =	sne.s32 s0, $0x0;
	_ =	strace $0x90000047  }
0x184: {  	s0 =	sadd.s32 @!p0 $0x100000, s1;
	[bflag:$0x2] =	sbarrier.arrive $0xFFFF  }
0x185: {  	[sflag:s0] =	ssyncadd.tile.s32 @!p0 $0x1;
	_ =	shalt  }
.Lfunc_end2:
_tile_overlayer_lowered:
.L_overlay_start_2:
0x186: {  	(tag) =	ssettag $0x2  }
0x187: {  	s0 =	rddreg [dreg:$0x0];
	s2 =	stileid.u32  }
0x188: {  	s1 =	rddreg [dreg:$0x1];
	p0 =	sne.s32 s2, $0x0  }
0x189: {  	s3 =	rddreg [dreg:$0x2];
	[bflag:$0x3] =	sbarrier.arrive $0xFFFF;
	s2 =	simm.s32 @!p0 $0x1C05  }
0x18a: {  	[timem:s3], [sflag:s2] =	dma.local @!p0 [hbm:s0], s1  }
0x18b: {  	s0 =	simm.s32 @!p0 $0x5  }
0x18c: {  	_ =	swait.ge @!p0 [sflag:s0], s1  }
0x18d: {  	s1 =	ssub.s32 @!p0 $0x0, s1;
	[sflag:s0] =	ssyncset.done @!p0 $0x0  }
0x18e: {  	[sflag:s0] =	ssyncadd.s32 @!p0 s1  }
0x18f: {  	[bflag:$0x3] =	sbarrier.arrive $0xFFFF  }
0x190: {  	_ =	shalt  }

</sc_bundles>
